<compile_context>
chip_gen: v7x
topology: tpu7x:2x2x1
jax: 0.10.2.dev20260603
libtpu: 0.0.44.dev20260713+nightly
codegen_flags: <defaults>
</compile_context>

<pallas_src>
import functools

import jax
import jax.numpy as jnp
from jax import lax
from jax.experimental import pallas as pl
from jax.experimental.pallas import tpu as pltpu
from jax.experimental.pallas import tpu_sc as plsc

_B = 4096
_DIC = 100
_D = 64
_NE = 6
_DP = _DIC // 2
_NPAIR = _B * _DP
_NC = 2
_NS = 16
_NW = _NC * _NS
_PER_W = _NPAIR // _NW
_RPW = _B // _NW
_CH = 128
_NCH = _PER_W // _CH
_NB = 2


def _tab_body(nm2_ref, vt_ref, out_ref):
    nm2 = nm2_ref[...]
    zero = jnp.zeros((_D,), jnp.float32)
    for e0 in range(_NE + 1):
        left = vt_ref[e0] if e0 < _NE else zero
        for e1 in range(_NE + 1):
            right = vt_ref[e1] if e1 < _NE else zero
            out_ref[e0, e1] = nm2 + jnp.concatenate([left, right], axis=-1)


def _build_table(name_embedding, value_table):
    out = pl.pallas_call(
        _tab_body,
        out_shape=jax.ShapeDtypeStruct((_NE + 1, _NE + 1, _DP, 2 * _D), jnp.float32),
    )(name_embedding.reshape(_DP, 2 * _D), value_table)
    return out.reshape((_NE + 1) * (_NE + 1) * _DP, 2 * _D)


def _sc_body(ctab_h, p_h, dpl_h, out_h, p_v, dp_v, i_v, stage_v, sem_g, sem_s):
    wid = lax.axis_index("s") * _NC + lax.axis_index("c")
    base0 = wid * _PER_W
    pltpu.sync_copy(p_h.at[pl.ds(wid * _RPW * 128, _RPW * 128)], p_v)
    pltpu.sync_copy(dpl_h, dp_v)

    def idx_row(r, carry):
        base = r * 128
        for off in (0, 16, 32, 34):
            xc = p_v[pl.ds(base + off, 16)]
            yv = p_v[pl.ds(base + 64 + off, 16)]
            dp = dp_v[pl.ds(off, 16)]
            xe = xc & 7
            xo = xc >> 3
            d0 = dp * 2
            e0 = jnp.where(d0 == yv, _NE, xe)
            e1 = jnp.where(d0 + 1 == yv, _NE, xo)
            i_v[pl.ds(r * _DP + off, 16)] = (e0 * (_NE + 1) + e1) * _DP + dp
        return carry

    lax.fori_loop(0, _RPW, idx_row, 0)

    def start_gather(c, b):
        pltpu.async_copy(
            ctab_h.at[i_v.at[pl.ds(c * _CH, _CH)]], stage_v.at[b], sem_g)

    def wait_gather(c, b):
        pltpu.make_async_copy(
            ctab_h.at[i_v.at[pl.ds(c * _CH, _CH)]], stage_v.at[b], sem_g).wait()

    for b in range(_NB):
        start_gather(b, b)

    def outer(t, carry):
        c0 = t * _NB
        for b in range(_NB):
            c = c0 + b
            base = base0 + c * _CH
            wait_gather(c, b)
            pltpu.async_copy(stage_v.at[b], out_h.at[pl.ds(base, _CH)], sem_s)
            pltpu.make_async_copy(
                stage_v.at[b], out_h.at[pl.ds(base, _CH)], sem_s).wait()

            @pl.when(c + _NB < _NCH)
            def _():
                start_gather(c + _NB, b)
        return carry

    lax.fori_loop(0, _NCH // _NB, outer, 0)


def _sc_gather(ctab, packed, dpl):
    mesh = plsc.VectorSubcoreMesh(core_axis_name="c", subcore_axis_name="s")
    run = functools.partial(
        pl.kernel,
        out_type=jax.ShapeDtypeStruct((_NPAIR, 2 * _D), jnp.float32),
        mesh=mesh,
        scratch_types=[
            pltpu.VMEM((_RPW * 128,), jnp.int32),
            pltpu.VMEM((_DP,), jnp.int32),
            pltpu.VMEM((_PER_W,), jnp.int32),
            pltpu.VMEM((_NB, _CH, 2 * _D), jnp.float32),
            pltpu.SemaphoreType.DMA,
            pltpu.SemaphoreType.DMA,
        ],
    )(_sc_body)
    return run(ctab, packed, dpl)


def _pack_inputs(x, y):
    xc = x[:, 0::2] + 8 * x[:, 1::2]
    pad = jnp.zeros((_B, 64 - _DP), jnp.int32)
    yb = jnp.broadcast_to(y[:, None], (_B, 56))
    pad2 = jnp.zeros((_B, 8), jnp.int32)
    return jnp.concatenate([xc, pad, yb, pad2], axis=1).reshape(_B * 128)


@jax.jit
def kernel(x, y, name_embedding, value_table):
    x = x.astype(jnp.int32)
    y = y.astype(jnp.int32)
    ctab = _build_table(name_embedding, value_table)
    packed = _pack_inputs(x, y)
    dpl = jnp.arange(_DP, dtype=jnp.int32)
    mid = _sc_gather(ctab, packed, dpl)
    return mid.reshape(_B, _DIC, _D)

# --- scband reference (transcript-rebuilt; emitter-appended) ---
"""Pipeline reference for scband-embed-layer-41386304864609 (READ-ONLY COPY).

The authoritative reference and input builder live on the scoring server;
editing this copy changes nothing except your own understanding.
"""

import jax, jax.numpy as jnp
import numpy as np

B = 4096
DIC = 100
D = 64
NUM_EMB = 6


def setup_inputs(seed: int = 0) -> dict:
    key = jax.random.key(seed)
    k1, k2, k3, k4 = jax.random.split(key, 4)
    x = jax.random.randint(k1, (B, DIC), 0, NUM_EMB)
    y = jax.random.randint(k2, (B,), 0, DIC)
    # learned parameters sized per init_kwargs
    name_embedding = jax.random.uniform(k3, (DIC, D), dtype=jnp.float32)  # torch.rand init
    value_table = jax.random.normal(k4, (NUM_EMB, D), dtype=jnp.float32)  # nn.Embedding weight
    return {"x": x, "y": y, "name_embedding": name_embedding, "value_table": value_table}


def reference(x, y, name_embedding, value_table):
    b = x.shape[0]
    # value_embeds = self.value_embedding(x)  -> gather from table
    value_embeds = jnp.take(value_table, x, axis=0)  # [B, DIC, D]
    # value_embeds[arange(B), y, :] = zeros(B, 64)  -> scatter-overwrite
    value_embeds = value_embeds.at[jnp.arange(b), y, :].set(0.0)
    # name_embeds = self.name_embedding.repeat(B, 1, 1)
    name_embeds = jnp.broadcast_to(name_embedding[None, :, :], (b, name_embedding.shape[0], name_embedding.shape[1]))
    return name_embeds + value_embeds

if __name__ == "__main__":
    import jax
    _d = setup_inputs()
    print(jax.jit(kernel)(*tuple(_d.values())))

</pallas_src>

<mosaic_0001>
#map = affine_map<(d0, d1) -> (0, 0)>
#map1 = affine_map<(d0, d1) -> (0)>
module attributes {stable_mosaic.version = 14 : i64} {
  func.func @_sc_body(%arg0: i32, %arg1: i32, %arg2: memref<2450x128xf32, #tpu.memory_space<hbm>>, %arg3: memref<524288xi32, #tpu.memory_space<hbm>>, %arg4: memref<50xi32, #tpu.memory_space<hbm>>, %arg5: memref<204800x128xf32, #tpu.memory_space<hbm>>, %arg6: memref<16384xi32, #tpu.memory_space<vmem>>, %arg7: memref<50xi32, #tpu.memory_space<vmem>>, %arg8: memref<6400xi32, #tpu.memory_space<vmem>>, %arg9: memref<2x128x128xf32, #tpu.memory_space<vmem>>, %arg10: memref<!tpu.dma_semaphore, #tpu.memory_space<semaphore_mem>>, %arg11: memref<!tpu.dma_semaphore, #tpu.memory_space<semaphore_mem>>) attributes {dimension_semantics = [#tpu.dimension_semantics<core_parallel>, #tpu.dimension_semantics<subcore_parallel>], iteration_bounds = array<i64: 2, 16>, scalar_prefetch = 0 : i64, scratch_operands = 6 : i64, tpu.core_type = #tpu.core_type<sc_vector_subcore>, window_params = [{transform_indices = #map}, {transform_indices = #map1}, {transform_indices = #map1}, {transform_indices = #map}]} {
    %mul3A = arith.constant 2 : i32
    %mul3A_0 = arith.muli %arg1, %mul3A : i32
    %add3A = arith.addi %mul3A_0, %arg0 : i32
    %mul3A_1 = arith.constant 6400 : i32
    %mul3A_2 = arith.muli %add3A, %mul3A_1 : i32
    %mul3A_3 = arith.constant 128 : i32
    %mul3A_4 = arith.muli %add3A, %mul3A_3 : i32
    %mul3A_5 = arith.constant 128 : i32
    %mul3A_6 = arith.muli %mul3A_4, %mul3A_5 : i32
    "tpu.region"() ({
      %run_scoped3A = tpu.sem_alloc : memref<!tpu.dma_semaphore, #tpu.memory_space<semaphore_mem>>
      %dma_start3A_37 = tpu.memref_slice %arg3[%mul3A_6] : memref<524288xi32, #tpu.memory_space<hbm>> -> memref<16384xi32, #tpu.memory_space<hbm>>
      %dma_start3A_38 = tpu.memref_slice %arg3[%mul3A_6] : memref<524288xi32, #tpu.memory_space<hbm>> -> memref<16384xi32, #tpu.memory_space<hbm>>
      tpu.enqueue_dma source(%dma_start3A_38 : memref<16384xi32, #tpu.memory_space<hbm>>) target(%arg6 : memref<16384xi32, #tpu.memory_space<vmem>>) target_semaphore(%run_scoped3A : memref<!tpu.dma_semaphore, #tpu.memory_space<semaphore_mem>>)
      %dma_wait3A = tpu.memref_slice %arg3[%mul3A_6] : memref<524288xi32, #tpu.memory_space<hbm>> -> memref<16384xi32, #tpu.memory_space<hbm>>
      %dma_wait3A_39 = tpu.memref_slice %arg3[%mul3A_6] : memref<524288xi32, #tpu.memory_space<hbm>> -> memref<16384xi32, #tpu.memory_space<hbm>>
      tpu.wait_dma2 semaphore(%run_scoped3A : memref<!tpu.dma_semaphore, #tpu.memory_space<semaphore_mem>>) src(%dma_wait3A_39 : memref<16384xi32, #tpu.memory_space<hbm>>) dst(%arg6 : memref<16384xi32, #tpu.memory_space<vmem>>)
      tpu.yield
    }) : () -> ()
    "tpu.region"() ({
      %run_scoped3A = tpu.sem_alloc : memref<!tpu.dma_semaphore, #tpu.memory_space<semaphore_mem>>
      tpu.enqueue_dma source(%arg4 : memref<50xi32, #tpu.memory_space<hbm>>) target(%arg7 : memref<50xi32, #tpu.memory_space<vmem>>) target_semaphore(%run_scoped3A : memref<!tpu.dma_semaphore, #tpu.memory_space<semaphore_mem>>)
      tpu.wait_dma2 semaphore(%run_scoped3A : memref<!tpu.dma_semaphore, #tpu.memory_space<semaphore_mem>>) src(%arg4 : memref<50xi32, #tpu.memory_space<hbm>>) dst(%arg7 : memref<50xi32, #tpu.memory_space<vmem>>)
      tpu.yield
    }) : () -> ()
    %scan3A = arith.constant 0 : i32
    %scan3A_7 = arith.constant 0 : i32
    %scan3A_8 = arith.constant 128 : i32
    %scan3A_9 = arith.addi %scan3A_7, %scan3A_8 : i32
    %scan3A_10 = arith.constant 1 : i32
    scf.for %scan3A_37 = %scan3A_7 to %scan3A_9 step %scan3A_10  : i32 {
      %mul3A_38 = arith.constant 128 : i32
      %mul3A_39 = arith.muli %scan3A_37, %mul3A_38 : i32
      %add3A_40 = arith.constant 0 : i32
      %add3A_41 = arith.addi %mul3A_39, %add3A_40 : i32
      %get3A = arith.index_cast %add3A_41 : i32 to index
      %get3A_42 = tpu.vector_load %arg6[%get3A] {strides = array<i32>} : memref<16384xi32, #tpu.memory_space<vmem>>, vector<16xi32>,
      %get3A_43 = vector.shape_cast %get3A_42 : vector<16xi32> to vector<16xi32>
      %add3A_44 = arith.constant 64 : i32
      %add3A_45 = arith.addi %mul3A_39, %add3A_44 : i32
      %add3A_46 = arith.constant 0 : i32
      %add3A_47 = arith.addi %add3A_45, %add3A_46 : i32
      %get3A_48 = arith.index_cast %add3A_47 : i32 to index
      %get3A_49 = tpu.vector_load %arg6[%get3A_48] {strides = array<i32>} : memref<16384xi32, #tpu.memory_space<vmem>>, vector<16xi32>,
      %get3A_50 = vector.shape_cast %get3A_49 : vector<16xi32> to vector<16xi32>
      %get3A_51 = arith.constant 0 : index
      %get3A_52 = tpu.vector_load %arg7[%get3A_51] {strides = array<i32>} : memref<50xi32, #tpu.memory_space<vmem>>, vector<16xi32>,
      %get3A_53 = vector.shape_cast %get3A_52 : vector<16xi32> to vector<16xi32>
      %and3A = arith.constant 7 : i32
      %and3A_54 = vector.broadcast %and3A : i32 to vector<16xi32>
      %and3A_55 = arith.andi %get3A_43, %and3A_54 : vector<16xi32>
      %shift_right_arithmetic3A = arith.constant 3 : i32
      %shift_right_arithmetic3A_56 = vector.broadcast %shift_right_arithmetic3A : i32 to vector<16xi32>
      %shift_right_arithmetic3A_57 = arith.shrsi %get3A_43, %shift_right_arithmetic3A_56 : vector<16xi32>
      %mul3A_58 = arith.constant 2 : i32
      %mul3A_59 = vector.broadcast %mul3A_58 : i32 to vector<16xi32>
      %mul3A_60 = arith.muli %get3A_53, %mul3A_59 : vector<16xi32>
      %eq3A = arith.cmpi eq, %mul3A_60, %get3A_50 : vector<16xi32>
      %jit3A = arith.constant 6 : i32
      %broadcast_in_dim3A = vector.broadcast %jit3A : i32 to vector<16xi32>
      %select_n3A = arith.select %eq3A, %broadcast_in_dim3A, %and3A_55 : vector<16xi1>, vector<16xi32>
      %add3A_61 = arith.constant 1 : i32
      %add3A_62 = vector.broadcast %add3A_61 : i32 to vector<16xi32>
      %add3A_63 = arith.addi %mul3A_60, %add3A_62 : vector<16xi32>
      %eq3A_64 = arith.cmpi eq, %add3A_63, %get3A_50 : vector<16xi32>
      %jit3A_65 = arith.constant 6 : i32
      %broadcast_in_dim3A_66 = vector.broadcast %jit3A_65 : i32 to vector<16xi32>
      %select_n3A_67 = arith.select %eq3A_64, %broadcast_in_dim3A_66, %shift_right_arithmetic3A_57 : vector<16xi1>, vector<16xi32>
      %mul3A_68 = arith.constant 7 : i32
      %mul3A_69 = vector.broadcast %mul3A_68 : i32 to vector<16xi32>
      %mul3A_70 = arith.muli %select_n3A, %mul3A_69 : vector<16xi32>
      %add3A_71 = arith.addi %mul3A_70, %select_n3A_67 : vector<16xi32>
      %mul3A_72 = arith.constant 50 : i32
      %mul3A_73 = vector.broadcast %mul3A_72 : i32 to vector<16xi32>
      %mul3A_74 = arith.muli %add3A_71, %mul3A_73 : vector<16xi32>
      %add3A_75 = arith.addi %mul3A_74, %get3A_53 : vector<16xi32>
      %mul3A_76 = arith.constant 50 : i32
      %mul3A_77 = arith.muli %scan3A_37, %mul3A_76 : i32
      %add3A_78 = arith.constant 0 : i32
      %add3A_79 = arith.addi %mul3A_77, %add3A_78 : i32
      %swap3A = arith.index_cast %add3A_79 : i32 to index
      %swap3A_80 = tpu.vector_load %arg8[%swap3A] {strides = array<i32>} : memref<6400xi32, #tpu.memory_space<vmem>>, vector<16xi32>,
      %swap3A_81 = vector.shape_cast %swap3A_80 : vector<16xi32> to vector<16xi32>
      %swap3A_82 = vector.shape_cast %add3A_75 : vector<16xi32> to vector<16xi32>
      tpu.vector_store %arg8[%swap3A], %swap3A_82 {strides = array<i32>} : memref<6400xi32, #tpu.memory_space<vmem>>, vector<16xi32>,
      %add3A_83 = arith.constant 16 : i32
      %add3A_84 = arith.addi %mul3A_39, %add3A_83 : i32
      %get3A_85 = arith.index_cast %add3A_84 : i32 to index
      %get3A_86 = tpu.vector_load %arg6[%get3A_85] {strides = array<i32>} : memref<16384xi32, #tpu.memory_space<vmem>>, vector<16xi32>,
      %get3A_87 = vector.shape_cast %get3A_86 : vector<16xi32> to vector<16xi32>
      %add3A_88 = arith.constant 64 : i32
      %add3A_89 = arith.addi %mul3A_39, %add3A_88 : i32
      %add3A_90 = arith.constant 16 : i32
      %add3A_91 = arith.addi %add3A_89, %add3A_90 : i32
      %get3A_92 = arith.index_cast %add3A_91 : i32 to index
      %get3A_93 = tpu.vector_load %arg6[%get3A_92] {strides = array<i32>} : memref<16384xi32, #tpu.memory_space<vmem>>, vector<16xi32>,
      %get3A_94 = vector.shape_cast %get3A_93 : vector<16xi32> to vector<16xi32>
      %get3A_95 = arith.constant 16 : index
      %get3A_96 = tpu.vector_load %arg7[%get3A_95] {strides = array<i32>} : memref<50xi32, #tpu.memory_space<vmem>>, vector<16xi32>,
      %get3A_97 = vector.shape_cast %get3A_96 : vector<16xi32> to vector<16xi32>
      %and3A_98 = arith.constant 7 : i32
      %and3A_99 = vector.broadcast %and3A_98 : i32 to vector<16xi32>
      %and3A_100 = arith.andi %get3A_87, %and3A_99 : vector<16xi32>
      %shift_right_arithmetic3A_101 = arith.constant 3 : i32
      %shift_right_arithmetic3A_102 = vector.broadcast %shift_right_arithmetic3A_101 : i32 to vector<16xi32>
      %shift_right_arithmetic3A_103 = arith.shrsi %get3A_87, %shift_right_arithmetic3A_102 : vector<16xi32>
      %mul3A_104 = arith.constant 2 : i32
      %mul3A_105 = vector.broadcast %mul3A_104 : i32 to vector<16xi32>
      %mul3A_106 = arith.muli %get3A_97, %mul3A_105 : vector<16xi32>
      %eq3A_107 = arith.cmpi eq, %mul3A_106, %get3A_94 : vector<16xi32>
      %jit3A_108 = arith.constant 6 : i32
      %broadcast_in_dim3A_109 = vector.broadcast %jit3A_108 : i32 to vector<16xi32>
      %select_n3A_110 = arith.select %eq3A_107, %broadcast_in_dim3A_109, %and3A_100 : vector<16xi1>, vector<16xi32>
      %add3A_111 = arith.constant 1 : i32
      %add3A_112 = vector.broadcast %add3A_111 : i32 to vector<16xi32>
      %add3A_113 = arith.addi %mul3A_106, %add3A_112 : vector<16xi32>
      %eq3A_114 = arith.cmpi eq, %add3A_113, %get3A_94 : vector<16xi32>
      %jit3A_115 = arith.constant 6 : i32
      %broadcast_in_dim3A_116 = vector.broadcast %jit3A_115 : i32 to vector<16xi32>
      %select_n3A_117 = arith.select %eq3A_114, %broadcast_in_dim3A_116, %shift_right_arithmetic3A_103 : vector<16xi1>, vector<16xi32>
      %mul3A_118 = arith.constant 7 : i32
      %mul3A_119 = vector.broadcast %mul3A_118 : i32 to vector<16xi32>
      %mul3A_120 = arith.muli %select_n3A_110, %mul3A_119 : vector<16xi32>
      %add3A_121 = arith.addi %mul3A_120, %select_n3A_117 : vector<16xi32>
      %mul3A_122 = arith.constant 50 : i32
      %mul3A_123 = vector.broadcast %mul3A_122 : i32 to vector<16xi32>
      %mul3A_124 = arith.muli %add3A_121, %mul3A_123 : vector<16xi32>
      %add3A_125 = arith.addi %mul3A_124, %get3A_97 : vector<16xi32>
      %mul3A_126 = arith.constant 50 : i32
      %mul3A_127 = arith.muli %scan3A_37, %mul3A_126 : i32
      %add3A_128 = arith.constant 16 : i32
      %add3A_129 = arith.addi %mul3A_127, %add3A_128 : i32
      %swap3A_130 = arith.index_cast %add3A_129 : i32 to index
      %swap3A_131 = tpu.vector_load %arg8[%swap3A_130] {strides = array<i32>} : memref<6400xi32, #tpu.memory_space<vmem>>, vector<16xi32>,
      %swap3A_132 = vector.shape_cast %swap3A_131 : vector<16xi32> to vector<16xi32>
      %swap3A_133 = vector.shape_cast %add3A_125 : vector<16xi32> to vector<16xi32>
      tpu.vector_store %arg8[%swap3A_130], %swap3A_133 {strides = array<i32>} : memref<6400xi32, #tpu.memory_space<vmem>>, vector<16xi32>,
      %add3A_134 = arith.constant 32 : i32
      %add3A_135 = arith.addi %mul3A_39, %add3A_134 : i32
      %get3A_136 = arith.index_cast %add3A_135 : i32 to index
      %get3A_137 = tpu.vector_load %arg6[%get3A_136] {strides = array<i32>} : memref<16384xi32, #tpu.memory_space<vmem>>, vector<16xi32>,
      %get3A_138 = vector.shape_cast %get3A_137 : vector<16xi32> to vector<16xi32>
      %add3A_139 = arith.constant 64 : i32
      %add3A_140 = arith.addi %mul3A_39, %add3A_139 : i32
      %add3A_141 = arith.constant 32 : i32
      %add3A_142 = arith.addi %add3A_140, %add3A_141 : i32
      %get3A_143 = arith.index_cast %add3A_142 : i32 to index
      %get3A_144 = tpu.vector_load %arg6[%get3A_143] {strides = array<i32>} : memref<16384xi32, #tpu.memory_space<vmem>>, vector<16xi32>,
      %get3A_145 = vector.shape_cast %get3A_144 : vector<16xi32> to vector<16xi32>
      %get3A_146 = arith.constant 32 : index
      %get3A_147 = tpu.vector_load %arg7[%get3A_146] {strides = array<i32>} : memref<50xi32, #tpu.memory_space<vmem>>, vector<16xi32>,
      %get3A_148 = vector.shape_cast %get3A_147 : vector<16xi32> to vector<16xi32>
      %and3A_149 = arith.constant 7 : i32
      %and3A_150 = vector.broadcast %and3A_149 : i32 to vector<16xi32>
      %and3A_151 = arith.andi %get3A_138, %and3A_150 : vector<16xi32>
      %shift_right_arithmetic3A_152 = arith.constant 3 : i32
      %shift_right_arithmetic3A_153 = vector.broadcast %shift_right_arithmetic3A_152 : i32 to vector<16xi32>
      %shift_right_arithmetic3A_154 = arith.shrsi %get3A_138, %shift_right_arithmetic3A_153 : vector<16xi32>
      %mul3A_155 = arith.constant 2 : i32
      %mul3A_156 = vector.broadcast %mul3A_155 : i32 to vector<16xi32>
      %mul3A_157 = arith.muli %get3A_148, %mul3A_156 : vector<16xi32>
      %eq3A_158 = arith.cmpi eq, %mul3A_157, %get3A_145 : vector<16xi32>
      %jit3A_159 = arith.constant 6 : i32
      %broadcast_in_dim3A_160 = vector.broadcast %jit3A_159 : i32 to vector<16xi32>
      %select_n3A_161 = arith.select %eq3A_158, %broadcast_in_dim3A_160, %and3A_151 : vector<16xi1>, vector<16xi32>
      %add3A_162 = arith.constant 1 : i32
      %add3A_163 = vector.broadcast %add3A_162 : i32 to vector<16xi32>
      %add3A_164 = arith.addi %mul3A_157, %add3A_163 : vector<16xi32>
      %eq3A_165 = arith.cmpi eq, %add3A_164, %get3A_145 : vector<16xi32>
      %jit3A_166 = arith.constant 6 : i32
      %broadcast_in_dim3A_167 = vector.broadcast %jit3A_166 : i32 to vector<16xi32>
      %select_n3A_168 = arith.select %eq3A_165, %broadcast_in_dim3A_167, %shift_right_arithmetic3A_154 : vector<16xi1>, vector<16xi32>
      %mul3A_169 = arith.constant 7 : i32
      %mul3A_170 = vector.broadcast %mul3A_169 : i32 to vector<16xi32>
      %mul3A_171 = arith.muli %select_n3A_161, %mul3A_170 : vector<16xi32>
      %add3A_172 = arith.addi %mul3A_171, %select_n3A_168 : vector<16xi32>
      %mul3A_173 = arith.constant 50 : i32
      %mul3A_174 = vector.broadcast %mul3A_173 : i32 to vector<16xi32>
      %mul3A_175 = arith.muli %add3A_172, %mul3A_174 : vector<16xi32>
      %add3A_176 = arith.addi %mul3A_175, %get3A_148 : vector<16xi32>
      %mul3A_177 = arith.constant 50 : i32
      %mul3A_178 = arith.muli %scan3A_37, %mul3A_177 : i32
      %add3A_179 = arith.constant 32 : i32
      %add3A_180 = arith.addi %mul3A_178, %add3A_179 : i32
      %swap3A_181 = arith.index_cast %add3A_180 : i32 to index
      %swap3A_182 = tpu.vector_load %arg8[%swap3A_181] {strides = array<i32>} : memref<6400xi32, #tpu.memory_space<vmem>>, vector<16xi32>,
      %swap3A_183 = vector.shape_cast %swap3A_182 : vector<16xi32> to vector<16xi32>
      %swap3A_184 = vector.shape_cast %add3A_176 : vector<16xi32> to vector<16xi32>
      tpu.vector_store %arg8[%swap3A_181], %swap3A_184 {strides = array<i32>} : memref<6400xi32, #tpu.memory_space<vmem>>, vector<16xi32>,
      %add3A_185 = arith.constant 34 : i32
      %add3A_186 = arith.addi %mul3A_39, %add3A_185 : i32
      %get3A_187 = arith.index_cast %add3A_186 : i32 to index
      %get3A_188 = tpu.vector_load %arg6[%get3A_187] {strides = array<i32>} : memref<16384xi32, #tpu.memory_space<vmem>>, vector<16xi32>,
      %get3A_189 = vector.shape_cast %get3A_188 : vector<16xi32> to vector<16xi32>
      %add3A_190 = arith.constant 64 : i32
      %add3A_191 = arith.addi %mul3A_39, %add3A_190 : i32
      %add3A_192 = arith.constant 34 : i32
      %add3A_193 = arith.addi %add3A_191, %add3A_192 : i32
      %get3A_194 = arith.index_cast %add3A_193 : i32 to index
      %get3A_195 = tpu.vector_load %arg6[%get3A_194] {strides = array<i32>} : memref<16384xi32, #tpu.memory_space<vmem>>, vector<16xi32>,
      %get3A_196 = vector.shape_cast %get3A_195 : vector<16xi32> to vector<16xi32>
      %get3A_197 = arith.constant 34 : index
      %get3A_198 = tpu.vector_load %arg7[%get3A_197] {strides = array<i32>} : memref<50xi32, #tpu.memory_space<vmem>>, vector<16xi32>,
      %get3A_199 = vector.shape_cast %get3A_198 : vector<16xi32> to vector<16xi32>
      %and3A_200 = arith.constant 7 : i32
      %and3A_201 = vector.broadcast %and3A_200 : i32 to vector<16xi32>
      %and3A_202 = arith.andi %get3A_189, %and3A_201 : vector<16xi32>
      %shift_right_arithmetic3A_203 = arith.constant 3 : i32
      %shift_right_arithmetic3A_204 = vector.broadcast %shift_right_arithmetic3A_203 : i32 to vector<16xi32>
      %shift_right_arithmetic3A_205 = arith.shrsi %get3A_189, %shift_right_arithmetic3A_204 : vector<16xi32>
      %mul3A_206 = arith.constant 2 : i32
      %mul3A_207 = vector.broadcast %mul3A_206 : i32 to vector<16xi32>
      %mul3A_208 = arith.muli %get3A_199, %mul3A_207 : vector<16xi32>
      %eq3A_209 = arith.cmpi eq, %mul3A_208, %get3A_196 : vector<16xi32>
      %jit3A_210 = arith.constant 6 : i32
      %broadcast_in_dim3A_211 = vector.broadcast %jit3A_210 : i32 to vector<16xi32>
      %select_n3A_212 = arith.select %eq3A_209, %broadcast_in_dim3A_211, %and3A_202 : vector<16xi1>, vector<16xi32>
      %add3A_213 = arith.constant 1 : i32
      %add3A_214 = vector.broadcast %add3A_213 : i32 to vector<16xi32>
      %add3A_215 = arith.addi %mul3A_208, %add3A_214 : vector<16xi32>
      %eq3A_216 = arith.cmpi eq, %add3A_215, %get3A_196 : vector<16xi32>
      %jit3A_217 = arith.constant 6 : i32
      %broadcast_in_dim3A_218 = vector.broadcast %jit3A_217 : i32 to vector<16xi32>
      %select_n3A_219 = arith.select %eq3A_216, %broadcast_in_dim3A_218, %shift_right_arithmetic3A_205 : vector<16xi1>, vector<16xi32>
      %mul3A_220 = arith.constant 7 : i32
      %mul3A_221 = vector.broadcast %mul3A_220 : i32 to vector<16xi32>
      %mul3A_222 = arith.muli %select_n3A_212, %mul3A_221 : vector<16xi32>
      %add3A_223 = arith.addi %mul3A_222, %select_n3A_219 : vector<16xi32>
      %mul3A_224 = arith.constant 50 : i32
      %mul3A_225 = vector.broadcast %mul3A_224 : i32 to vector<16xi32>
      %mul3A_226 = arith.muli %add3A_223, %mul3A_225 : vector<16xi32>
      %add3A_227 = arith.addi %mul3A_226, %get3A_199 : vector<16xi32>
      %mul3A_228 = arith.constant 50 : i32
      %mul3A_229 = arith.muli %scan3A_37, %mul3A_228 : i32
      %add3A_230 = arith.constant 34 : i32
      %add3A_231 = arith.addi %mul3A_229, %add3A_230 : i32
      %swap3A_232 = arith.index_cast %add3A_231 : i32 to index
      %swap3A_233 = tpu.vector_load %arg8[%swap3A_232] {strides = array<i32>} : memref<6400xi32, #tpu.memory_space<vmem>>, vector<16xi32>,
      %swap3A_234 = vector.shape_cast %swap3A_233 : vector<16xi32> to vector<16xi32>
      %swap3A_235 = vector.shape_cast %add3A_227 : vector<16xi32> to vector<16xi32>
      tpu.vector_store %arg8[%swap3A_232], %swap3A_235 {strides = array<i32>} : memref<6400xi32, #tpu.memory_space<vmem>>, vector<16xi32>,
    }
    %scan3A_11 = arith.constant 128 : i32
    %dma_start3A = arith.constant 0 : i32
    %dma_start3A_12 = arith.constant 0 : i32
    %dma_start3A_13 = arith.constant 0 : i32
    %dma_start3A_14 = tpu.memref_slice %arg9[%dma_start3A, %dma_start3A_12, %dma_start3A_13] : memref<2x128x128xf32, #tpu.memory_space<vmem>> -> memref<1x128x128xf32, #tpu.memory_space<vmem>>
    %dma_start3A_15 = tpu.memref_squeeze %dma_start3A_14 : memref<1x128x128xf32, #tpu.memory_space<vmem>> -> memref<128x128xf32, #tpu.memory_space<vmem>>
    %dma_start3A_16 = arith.constant 0 : i32
    %dma_start3A_17 = tpu.memref_slice %arg8[%dma_start3A_16] : memref<6400xi32, #tpu.memory_space<vmem>> -> memref<128xi32, #tpu.memory_space<vmem>>
    %dma_start3A_18 = arith.constant 0 : i32
    %dma_start3A_19 = arith.constant 0 : i32
    %dma_start3A_20 = tpu.memref_slice %arg2[%dma_start3A_18, %dma_start3A_19] : memref<2450x128xf32, #tpu.memory_space<hbm>> -> memref<2450x128xf32, #tpu.memory_space<hbm>>
    tpu.enqueue_indirect_dma source(%dma_start3A_20 : memref<2450x128xf32, #tpu.memory_space<hbm>>) target(%dma_start3A_15 : memref<128x128xf32, #tpu.memory_space<vmem>>) offsets(%dma_start3A_17 : memref<128xi32, #tpu.memory_space<vmem>>) semaphore(%arg10 : memref<!tpu.dma_semaphore, #tpu.memory_space<semaphore_mem>>)
    %dma_start3A_21 = arith.constant 1 : i32
    %dma_start3A_22 = arith.constant 0 : i32
    %dma_start3A_23 = arith.constant 0 : i32
    %dma_start3A_24 = tpu.memref_slice %arg9[%dma_start3A_21, %dma_start3A_22, %dma_start3A_23] : memref<2x128x128xf32, #tpu.memory_space<vmem>> -> memref<1x128x128xf32, #tpu.memory_space<vmem>>
    %dma_start3A_25 = tpu.memref_squeeze %dma_start3A_24 : memref<1x128x128xf32, #tpu.memory_space<vmem>> -> memref<128x128xf32, #tpu.memory_space<vmem>>
    %dma_start3A_26 = arith.constant 128 : i32
    %dma_start3A_27 = tpu.memref_slice %arg8[%dma_start3A_26] : memref<6400xi32, #tpu.memory_space<vmem>> -> memref<128xi32, #tpu.memory_space<vmem>>
    %dma_start3A_28 = arith.constant 0 : i32
    %dma_start3A_29 = arith.constant 0 : i32
    %dma_start3A_30 = tpu.memref_slice %arg2[%dma_start3A_28, %dma_start3A_29] : memref<2450x128xf32, #tpu.memory_space<hbm>> -> memref<2450x128xf32, #tpu.memory_space<hbm>>
    tpu.enqueue_indirect_dma source(%dma_start3A_30 : memref<2450x128xf32, #tpu.memory_space<hbm>>) target(%dma_start3A_25 : memref<128x128xf32, #tpu.memory_space<vmem>>) offsets(%dma_start3A_27 : memref<128xi32, #tpu.memory_space<vmem>>) semaphore(%arg10 : memref<!tpu.dma_semaphore, #tpu.memory_space<semaphore_mem>>)
    %scan3A_31 = arith.constant 0 : i32
    %scan3A_32 = arith.constant 0 : i32
    %scan3A_33 = arith.constant 25 : i32
    %scan3A_34 = arith.addi %scan3A_32, %scan3A_33 : i32
    %scan3A_35 = arith.constant 1 : i32
    scf.for %scan3A_37 = %scan3A_32 to %scan3A_34 step %scan3A_35  : i32 {
      %mul3A_38 = arith.constant 2 : i32
      %mul3A_39 = arith.muli %scan3A_37, %mul3A_38 : i32
      %add3A_40 = arith.constant 0 : i32
      %add3A_41 = arith.addi %mul3A_39, %add3A_40 : i32
      %mul3A_42 = arith.constant 128 : i32
      %mul3A_43 = arith.muli %add3A_41, %mul3A_42 : i32
      %add3A_44 = arith.addi %mul3A_2, %mul3A_43 : i32
      %mul3A_45 = arith.constant 128 : i32
      %mul3A_46 = arith.muli %add3A_41, %mul3A_45 : i32
      %dma_wait3A = arith.constant 0 : i32
      %dma_wait3A_47 = arith.constant 0 : i32
      %dma_wait3A_48 = arith.constant 0 : i32
      %dma_wait3A_49 = tpu.memref_slice %arg9[%dma_wait3A, %dma_wait3A_47, %dma_wait3A_48] : memref<2x128x128xf32, #tpu.memory_space<vmem>> -> memref<1x128x128xf32, #tpu.memory_space<vmem>>
      %dma_wait3A_50 = tpu.memref_squeeze %dma_wait3A_49 : memref<1x128x128xf32, #tpu.memory_space<vmem>> -> memref<128x128xf32, #tpu.memory_space<vmem>>
      %dma_wait3A_51 = tpu.memref_slice %arg8[%mul3A_46] : memref<6400xi32, #tpu.memory_space<vmem>> -> memref<128xi32, #tpu.memory_space<vmem>>
      %dma_wait3A_52 = arith.constant 0 : i32
      %dma_wait3A_53 = arith.constant 0 : i32
      %dma_wait3A_54 = tpu.memref_slice %arg2[%dma_wait3A_52, %dma_wait3A_53] : memref<2450x128xf32, #tpu.memory_space<hbm>> -> memref<2450x128xf32, #tpu.memory_space<hbm>>
      tpu.wait_indirect_dma semaphore(%arg10 : memref<!tpu.dma_semaphore, #tpu.memory_space<semaphore_mem>>) src(%dma_wait3A_54 : memref<2450x128xf32, #tpu.memory_space<hbm>>) dst(%dma_wait3A_50 : memref<128x128xf32, #tpu.memory_space<vmem>>)
      %dma_start3A_55 = arith.constant 0 : i32
      %dma_start3A_56 = arith.constant 0 : i32
      %dma_start3A_57 = arith.constant 0 : i32
      %dma_start3A_58 = tpu.memref_slice %arg9[%dma_start3A_55, %dma_start3A_56, %dma_start3A_57] : memref<2x128x128xf32, #tpu.memory_space<vmem>> -> memref<1x128x128xf32, #tpu.memory_space<vmem>>
      %dma_start3A_59 = tpu.memref_squeeze %dma_start3A_58 : memref<1x128x128xf32, #tpu.memory_space<vmem>> -> memref<128x128xf32, #tpu.memory_space<vmem>>
      %dma_start3A_60 = arith.constant 0 : i32
      %dma_start3A_61 = tpu.memref_slice %arg5[%add3A_44, %dma_start3A_60] : memref<204800x128xf32, #tpu.memory_space<hbm>> -> memref<128x128xf32, #tpu.memory_space<hbm>>
      %dma_start3A_62 = arith.constant 0 : i32
      %dma_start3A_63 = tpu.memref_slice %arg5[%add3A_44, %dma_start3A_62] : memref<204800x128xf32, #tpu.memory_space<hbm>> -> memref<128x128xf32, #tpu.memory_space<hbm>>
      %dma_start3A_64 = arith.constant 0 : i32
      %dma_start3A_65 = arith.constant 0 : i32
      %dma_start3A_66 = tpu.memref_slice %arg9[%dma_start3A_55, %dma_start3A_64, %dma_start3A_65] : memref<2x128x128xf32, #tpu.memory_space<vmem>> -> memref<1x128x128xf32, #tpu.memory_space<vmem>>
      %dma_start3A_67 = tpu.memref_squeeze %dma_start3A_66 : memref<1x128x128xf32, #tpu.memory_space<vmem>> -> memref<128x128xf32, #tpu.memory_space<vmem>>
      tpu.enqueue_dma source(%dma_start3A_67 : memref<128x128xf32, #tpu.memory_space<vmem>>) target(%dma_start3A_63 : memref<128x128xf32, #tpu.memory_space<hbm>>) target_semaphore(%arg11 : memref<!tpu.dma_semaphore, #tpu.memory_space<semaphore_mem>>)
      %dma_wait3A_68 = arith.constant 0 : i32
      %dma_wait3A_69 = arith.constant 0 : i32
      %dma_wait3A_70 = arith.constant 0 : i32
      %dma_wait3A_71 = tpu.memref_slice %arg9[%dma_wait3A_68, %dma_wait3A_69, %dma_wait3A_70] : memref<2x128x128xf32, #tpu.memory_space<vmem>> -> memref<1x128x128xf32, #tpu.memory_space<vmem>>
      %dma_wait3A_72 = tpu.memref_squeeze %dma_wait3A_71 : memref<1x128x128xf32, #tpu.memory_space<vmem>> -> memref<128x128xf32, #tpu.memory_space<vmem>>
      %dma_wait3A_73 = arith.constant 0 : i32
      %dma_wait3A_74 = tpu.memref_slice %arg5[%add3A_44, %dma_wait3A_73] : memref<204800x128xf32, #tpu.memory_space<hbm>> -> memref<128x128xf32, #tpu.memory_space<hbm>>
      %dma_wait3A_75 = arith.constant 0 : i32
      %dma_wait3A_76 = tpu.memref_slice %arg5[%add3A_44, %dma_wait3A_75] : memref<204800x128xf32, #tpu.memory_space<hbm>> -> memref<128x128xf32, #tpu.memory_space<hbm>>
      %dma_wait3A_77 = arith.constant 0 : i32
      %dma_wait3A_78 = arith.constant 0 : i32
      %dma_wait3A_79 = tpu.memref_slice %arg9[%dma_wait3A_68, %dma_wait3A_77, %dma_wait3A_78] : memref<2x128x128xf32, #tpu.memory_space<vmem>> -> memref<1x128x128xf32, #tpu.memory_space<vmem>>
      %dma_wait3A_80 = tpu.memref_squeeze %dma_wait3A_79 : memref<1x128x128xf32, #tpu.memory_space<vmem>> -> memref<128x128xf32, #tpu.memory_space<vmem>>
      tpu.wait_dma2 semaphore(%arg11 : memref<!tpu.dma_semaphore, #tpu.memory_space<semaphore_mem>>) src(%dma_wait3A_80 : memref<128x128xf32, #tpu.memory_space<vmem>>) dst(%dma_wait3A_76 : memref<128x128xf32, #tpu.memory_space<hbm>>)
      %add3A_81 = arith.constant 2 : i32
      %add3A_82 = arith.addi %add3A_41, %add3A_81 : i32
      %lt3A = arith.constant 50 : i32
      %lt3A_83 = arith.cmpi slt, %add3A_82, %lt3A : i32
      %convert_element_type3A = arith.extui %lt3A_83 : i1 to i32
      %cond3A = arith.constant 0 : i32
      %cond3A_84 = arith.cmpi ne, %convert_element_type3A, %cond3A : i32
      scf.if %cond3A_84 {
        %add3A_134 = arith.constant 2 : i32
        %add3A_135 = arith.addi %add3A_41, %add3A_134 : i32
        %mul3A_136 = arith.constant 128 : i32
        %mul3A_137 = arith.muli %add3A_135, %mul3A_136 : i32
        %dma_start3A_138 = arith.constant 0 : i32
        %dma_start3A_139 = arith.constant 0 : i32
        %dma_start3A_140 = arith.constant 0 : i32
        %dma_start3A_141 = tpu.memref_slice %arg9[%dma_start3A_138, %dma_start3A_139, %dma_start3A_140] : memref<2x128x128xf32, #tpu.memory_space<vmem>> -> memref<1x128x128xf32, #tpu.memory_space<vmem>>
        %dma_start3A_142 = tpu.memref_squeeze %dma_start3A_141 : memref<1x128x128xf32, #tpu.memory_space<vmem>> -> memref<128x128xf32, #tpu.memory_space<vmem>>
        %dma_start3A_143 = tpu.memref_slice %arg8[%mul3A_137] : memref<6400xi32, #tpu.memory_space<vmem>> -> memref<128xi32, #tpu.memory_space<vmem>>
        %dma_start3A_144 = arith.constant 0 : i32
        %dma_start3A_145 = arith.constant 0 : i32
        %dma_start3A_146 = tpu.memref_slice %arg2[%dma_start3A_144, %dma_start3A_145] : memref<2450x128xf32, #tpu.memory_space<hbm>> -> memref<2450x128xf32, #tpu.memory_space<hbm>>
        tpu.enqueue_indirect_dma source(%dma_start3A_146 : memref<2450x128xf32, #tpu.memory_space<hbm>>) target(%dma_start3A_142 : memref<128x128xf32, #tpu.memory_space<vmem>>) offsets(%dma_start3A_143 : memref<128xi32, #tpu.memory_space<vmem>>) semaphore(%arg10 : memref<!tpu.dma_semaphore, #tpu.memory_space<semaphore_mem>>)
      } else {
      }
      %add3A_85 = arith.constant 1 : i32
      %add3A_86 = arith.addi %mul3A_39, %add3A_85 : i32
      %mul3A_87 = arith.constant 128 : i32
      %mul3A_88 = arith.muli %add3A_86, %mul3A_87 : i32
      %add3A_89 = arith.addi %mul3A_2, %mul3A_88 : i32
      %mul3A_90 = arith.constant 128 : i32
      %mul3A_91 = arith.muli %add3A_86, %mul3A_90 : i32
      %dma_wait3A_92 = arith.constant 1 : i32
      %dma_wait3A_93 = arith.constant 0 : i32
      %dma_wait3A_94 = arith.constant 0 : i32
      %dma_wait3A_95 = tpu.memref_slice %arg9[%dma_wait3A_92, %dma_wait3A_93, %dma_wait3A_94] : memref<2x128x128xf32, #tpu.memory_space<vmem>> -> memref<1x128x128xf32, #tpu.memory_space<vmem>>
      %dma_wait3A_96 = tpu.memref_squeeze %dma_wait3A_95 : memref<1x128x128xf32, #tpu.memory_space<vmem>> -> memref<128x128xf32, #tpu.memory_space<vmem>>
      %dma_wait3A_97 = tpu.memref_slice %arg8[%mul3A_91] : memref<6400xi32, #tpu.memory_space<vmem>> -> memref<128xi32, #tpu.memory_space<vmem>>
      %dma_wait3A_98 = arith.constant 0 : i32
      %dma_wait3A_99 = arith.constant 0 : i32
      %dma_wait3A_100 = tpu.memref_slice %arg2[%dma_wait3A_98, %dma_wait3A_99] : memref<2450x128xf32, #tpu.memory_space<hbm>> -> memref<2450x128xf32, #tpu.memory_space<hbm>>
      tpu.wait_indirect_dma semaphore(%arg10 : memref<!tpu.dma_semaphore, #tpu.memory_space<semaphore_mem>>) src(%dma_wait3A_100 : memref<2450x128xf32, #tpu.memory_space<hbm>>) dst(%dma_wait3A_96 : memref<128x128xf32, #tpu.memory_space<vmem>>)
      %dma_start3A_101 = arith.constant 1 : i32
      %dma_start3A_102 = arith.constant 0 : i32
      %dma_start3A_103 = arith.constant 0 : i32
      %dma_start3A_104 = tpu.memref_slice %arg9[%dma_start3A_101, %dma_start3A_102, %dma_start3A_103] : memref<2x128x128xf32, #tpu.memory_space<vmem>> -> memref<1x128x128xf32, #tpu.memory_space<vmem>>
      %dma_start3A_105 = tpu.memref_squeeze %dma_start3A_104 : memref<1x128x128xf32, #tpu.memory_space<vmem>> -> memref<128x128xf32, #tpu.memory_space<vmem>>
      %dma_start3A_106 = arith.constant 0 : i32
      %dma_start3A_107 = tpu.memref_slice %arg5[%add3A_89, %dma_start3A_106] : memref<204800x128xf32, #tpu.memory_space<hbm>> -> memref<128x128xf32, #tpu.memory_space<hbm>>
      %dma_start3A_108 = arith.constant 0 : i32
      %dma_start3A_109 = tpu.memref_slice %arg5[%add3A_89, %dma_start3A_108] : memref<204800x128xf32, #tpu.memory_space<hbm>> -> memref<128x128xf32, #tpu.memory_space<hbm>>
      %dma_start3A_110 = arith.constant 0 : i32
      %dma_start3A_111 = arith.constant 0 : i32
      %dma_start3A_112 = tpu.memref_slice %arg9[%dma_start3A_101, %dma_start3A_110, %dma_start3A_111] : memref<2x128x128xf32, #tpu.memory_space<vmem>> -> memref<1x128x128xf32, #tpu.memory_space<vmem>>
      %dma_start3A_113 = tpu.memref_squeeze %dma_start3A_112 : memref<1x128x128xf32, #tpu.memory_space<vmem>> -> memref<128x128xf32, #tpu.memory_space<vmem>>
      tpu.enqueue_dma source(%dma_start3A_113 : memref<128x128xf32, #tpu.memory_space<vmem>>) target(%dma_start3A_109 : memref<128x128xf32, #tpu.memory_space<hbm>>) target_semaphore(%arg11 : memref<!tpu.dma_semaphore, #tpu.memory_space<semaphore_mem>>)
      %dma_wait3A_114 = arith.constant 1 : i32
      %dma_wait3A_115 = arith.constant 0 : i32
      %dma_wait3A_116 = arith.constant 0 : i32
      %dma_wait3A_117 = tpu.memref_slice %arg9[%dma_wait3A_114, %dma_wait3A_115, %dma_wait3A_116] : memref<2x128x128xf32, #tpu.memory_space<vmem>> -> memref<1x128x128xf32, #tpu.memory_space<vmem>>
      %dma_wait3A_118 = tpu.memref_squeeze %dma_wait3A_117 : memref<1x128x128xf32, #tpu.memory_space<vmem>> -> memref<128x128xf32, #tpu.memory_space<vmem>>
      %dma_wait3A_119 = arith.constant 0 : i32
      %dma_wait3A_120 = tpu.memref_slice %arg5[%add3A_89, %dma_wait3A_119] : memref<204800x128xf32, #tpu.memory_space<hbm>> -> memref<128x128xf32, #tpu.memory_space<hbm>>
      %dma_wait3A_121 = arith.constant 0 : i32
      %dma_wait3A_122 = tpu.memref_slice %arg5[%add3A_89, %dma_wait3A_121] : memref<204800x128xf32, #tpu.memory_space<hbm>> -> memref<128x128xf32, #tpu.memory_space<hbm>>
      %dma_wait3A_123 = arith.constant 0 : i32
      %dma_wait3A_124 = arith.constant 0 : i32
      %dma_wait3A_125 = tpu.memref_slice %arg9[%dma_wait3A_114, %dma_wait3A_123, %dma_wait3A_124] : memref<2x128x128xf32, #tpu.memory_space<vmem>> -> memref<1x128x128xf32, #tpu.memory_space<vmem>>
      %dma_wait3A_126 = tpu.memref_squeeze %dma_wait3A_125 : memref<1x128x128xf32, #tpu.memory_space<vmem>> -> memref<128x128xf32, #tpu.memory_space<vmem>>
      tpu.wait_dma2 semaphore(%arg11 : memref<!tpu.dma_semaphore, #tpu.memory_space<semaphore_mem>>) src(%dma_wait3A_126 : memref<128x128xf32, #tpu.memory_space<vmem>>) dst(%dma_wait3A_122 : memref<128x128xf32, #tpu.memory_space<hbm>>)
      %add3A_127 = arith.constant 2 : i32
      %add3A_128 = arith.addi %add3A_86, %add3A_127 : i32
      %lt3A_129 = arith.constant 50 : i32
      %lt3A_130 = arith.cmpi slt, %add3A_128, %lt3A_129 : i32
      %convert_element_type3A_131 = arith.extui %lt3A_130 : i1 to i32
      %cond3A_132 = arith.constant 0 : i32
      %cond3A_133 = arith.cmpi ne, %convert_element_type3A_131, %cond3A_132 : i32
      scf.if %cond3A_133 {
        %add3A_134 = arith.constant 2 : i32
        %add3A_135 = arith.addi %add3A_86, %add3A_134 : i32
        %mul3A_136 = arith.constant 128 : i32
        %mul3A_137 = arith.muli %add3A_135, %mul3A_136 : i32
        %dma_start3A_138 = arith.constant 1 : i32
        %dma_start3A_139 = arith.constant 0 : i32
        %dma_start3A_140 = arith.constant 0 : i32
        %dma_start3A_141 = tpu.memref_slice %arg9[%dma_start3A_138, %dma_start3A_139, %dma_start3A_140] : memref<2x128x128xf32, #tpu.memory_space<vmem>> -> memref<1x128x128xf32, #tpu.memory_space<vmem>>
        %dma_start3A_142 = tpu.memref_squeeze %dma_start3A_141 : memref<1x128x128xf32, #tpu.memory_space<vmem>> -> memref<128x128xf32, #tpu.memory_space<vmem>>
        %dma_start3A_143 = tpu.memref_slice %arg8[%mul3A_137] : memref<6400xi32, #tpu.memory_space<vmem>> -> memref<128xi32, #tpu.memory_space<vmem>>
        %dma_start3A_144 = arith.constant 0 : i32
        %dma_start3A_145 = arith.constant 0 : i32
        %dma_start3A_146 = tpu.memref_slice %arg2[%dma_start3A_144, %dma_start3A_145] : memref<2450x128xf32, #tpu.memory_space<hbm>> -> memref<2450x128xf32, #tpu.memory_space<hbm>>
        tpu.enqueue_indirect_dma source(%dma_start3A_146 : memref<2450x128xf32, #tpu.memory_space<hbm>>) target(%dma_start3A_142 : memref<128x128xf32, #tpu.memory_space<vmem>>) offsets(%dma_start3A_143 : memref<128xi32, #tpu.memory_space<vmem>>) semaphore(%arg10 : memref<!tpu.dma_semaphore, #tpu.memory_space<semaphore_mem>>)
      } else {
      }
    }
    %scan3A_36 = arith.constant 25 : i32
    return
  }
}

module attributes {stable_mosaic.version = 14 : i64} {
  func.func @_tab_body(%arg0: memref<50x128xf32, #tpu.memory_space<vmem>>, %arg1: memref<6x64xf32, #tpu.memory_space<vmem>>, %arg2: memref<7x7x50x128xf32, #tpu.memory_space<vmem>>) attributes {dimension_semantics = [], scalar_prefetch = 0 : i64, scratch_operands = 0 : i64, tpu.core_type = #tpu.core_type<tc>} {
    %get3A = arith.constant 0 : index
    %get3A_0 = arith.constant 0 : index
    %get3A_1 = vector.load %arg0[%get3A, %get3A_0] : memref<50x128xf32, #tpu.memory_space<vmem>>, vector<50x128xf32>
    %broadcast_in_dim3A = arith.constant 0.000000e+00 : f32
    %broadcast_in_dim3A_2 = vector.broadcast %broadcast_in_dim3A : f32 to vector<64xf32>
    %get3A_3 = arith.constant 0 : index
    %get3A_4 = arith.constant 0 : index
    %get3A_5 = vector.load %arg1[%get3A_3, %get3A_4] : memref<6x64xf32, #tpu.memory_space<vmem>>, vector<1x64xf32>
    %get3A_6 = vector.shape_cast %get3A_5 : vector<1x64xf32> to vector<64xf32>
    %get3A_7 = arith.constant 0 : index
    %get3A_8 = arith.constant 0 : index
    %get3A_9 = vector.load %arg1[%get3A_7, %get3A_8] : memref<6x64xf32, #tpu.memory_space<vmem>>, vector<1x64xf32>
    %get3A_10 = vector.shape_cast %get3A_9 : vector<1x64xf32> to vector<64xf32>
    %concatenate3A = tpu.concatenate %get3A_6, %get3A_10 in 0 : vector<64xf32>, vector<64xf32> -> vector<128xf32>
    %broadcast_in_dim3A_11 = vector.shape_cast %concatenate3A : vector<128xf32> to vector<1x128xf32>
    %add3A = vector.broadcast %broadcast_in_dim3A_11 : vector<1x128xf32> to vector<50x128xf32>
    %add3A_12 = arith.addf %get3A_1, %add3A : vector<50x128xf32>
    %swap3A = arith.constant 0 : index
    %swap3A_13 = arith.constant 0 : index
    %swap3A_14 = arith.constant 0 : index
    %swap3A_15 = arith.constant 0 : index
    %swap3A_16 = vector.load %arg2[%swap3A, %swap3A_13, %swap3A_14, %swap3A_15] : memref<7x7x50x128xf32, #tpu.memory_space<vmem>>, vector<1x1x50x128xf32>
    %swap3A_17 = vector.shape_cast %swap3A_16 : vector<1x1x50x128xf32> to vector<50x128xf32>
    %swap3A_18 = vector.shape_cast %add3A_12 : vector<50x128xf32> to vector<1x1x50x128xf32>
    tpu.vector_store %arg2[%swap3A, %swap3A_13, %swap3A_14, %swap3A_15], %swap3A_18 {strides = array<i32>} : memref<7x7x50x128xf32, #tpu.memory_space<vmem>>, vector<1x1x50x128xf32>,
    %get3A_19 = arith.constant 1 : index
    %get3A_20 = arith.constant 0 : index
    %get3A_21 = vector.load %arg1[%get3A_19, %get3A_20] : memref<6x64xf32, #tpu.memory_space<vmem>>, vector<1x64xf32>
    %get3A_22 = vector.shape_cast %get3A_21 : vector<1x64xf32> to vector<64xf32>
    %concatenate3A_23 = tpu.concatenate %get3A_6, %get3A_22 in 0 : vector<64xf32>, vector<64xf32> -> vector<128xf32>
    %broadcast_in_dim3A_24 = vector.shape_cast %concatenate3A_23 : vector<128xf32> to vector<1x128xf32>
    %add3A_25 = vector.broadcast %broadcast_in_dim3A_24 : vector<1x128xf32> to vector<50x128xf32>
    %add3A_26 = arith.addf %get3A_1, %add3A_25 : vector<50x128xf32>
    %swap3A_27 = arith.constant 0 : index
    %swap3A_28 = arith.constant 1 : index
    %swap3A_29 = arith.constant 0 : index
    %swap3A_30 = arith.constant 0 : index
    %swap3A_31 = vector.load %arg2[%swap3A_27, %swap3A_28, %swap3A_29, %swap3A_30] : memref<7x7x50x128xf32, #tpu.memory_space<vmem>>, vector<1x1x50x128xf32>
    %swap3A_32 = vector.shape_cast %swap3A_31 : vector<1x1x50x128xf32> to vector<50x128xf32>
    %swap3A_33 = vector.shape_cast %add3A_26 : vector<50x128xf32> to vector<1x1x50x128xf32>
    tpu.vector_store %arg2[%swap3A_27, %swap3A_28, %swap3A_29, %swap3A_30], %swap3A_33 {strides = array<i32>} : memref<7x7x50x128xf32, #tpu.memory_space<vmem>>, vector<1x1x50x128xf32>,
    %get3A_34 = arith.constant 2 : index
    %get3A_35 = arith.constant 0 : index
    %get3A_36 = vector.load %arg1[%get3A_34, %get3A_35] : memref<6x64xf32, #tpu.memory_space<vmem>>, vector<1x64xf32>
    %get3A_37 = vector.shape_cast %get3A_36 : vector<1x64xf32> to vector<64xf32>
    %concatenate3A_38 = tpu.concatenate %get3A_6, %get3A_37 in 0 : vector<64xf32>, vector<64xf32> -> vector<128xf32>
    %broadcast_in_dim3A_39 = vector.shape_cast %concatenate3A_38 : vector<128xf32> to vector<1x128xf32>
    %add3A_40 = vector.broadcast %broadcast_in_dim3A_39 : vector<1x128xf32> to vector<50x128xf32>
    %add3A_41 = arith.addf %get3A_1, %add3A_40 : vector<50x128xf32>
    %swap3A_42 = arith.constant 0 : index
    %swap3A_43 = arith.constant 2 : index
    %swap3A_44 = arith.constant 0 : index
    %swap3A_45 = arith.constant 0 : index
    %swap3A_46 = vector.load %arg2[%swap3A_42, %swap3A_43, %swap3A_44, %swap3A_45] : memref<7x7x50x128xf32, #tpu.memory_space<vmem>>, vector<1x1x50x128xf32>
    %swap3A_47 = vector.shape_cast %swap3A_46 : vector<1x1x50x128xf32> to vector<50x128xf32>
    %swap3A_48 = vector.shape_cast %add3A_41 : vector<50x128xf32> to vector<1x1x50x128xf32>
    tpu.vector_store %arg2[%swap3A_42, %swap3A_43, %swap3A_44, %swap3A_45], %swap3A_48 {strides = array<i32>} : memref<7x7x50x128xf32, #tpu.memory_space<vmem>>, vector<1x1x50x128xf32>,
    %get3A_49 = arith.constant 3 : index
    %get3A_50 = arith.constant 0 : index
    %get3A_51 = vector.load %arg1[%get3A_49, %get3A_50] : memref<6x64xf32, #tpu.memory_space<vmem>>, vector<1x64xf32>
    %get3A_52 = vector.shape_cast %get3A_51 : vector<1x64xf32> to vector<64xf32>
    %concatenate3A_53 = tpu.concatenate %get3A_6, %get3A_52 in 0 : vector<64xf32>, vector<64xf32> -> vector<128xf32>
    %broadcast_in_dim3A_54 = vector.shape_cast %concatenate3A_53 : vector<128xf32> to vector<1x128xf32>
    %add3A_55 = vector.broadcast %broadcast_in_dim3A_54 : vector<1x128xf32> to vector<50x128xf32>
    %add3A_56 = arith.addf %get3A_1, %add3A_55 : vector<50x128xf32>
    %swap3A_57 = arith.constant 0 : index
    %swap3A_58 = arith.constant 3 : index
    %swap3A_59 = arith.constant 0 : index
    %swap3A_60 = arith.constant 0 : index
    %swap3A_61 = vector.load %arg2[%swap3A_57, %swap3A_58, %swap3A_59, %swap3A_60] : memref<7x7x50x128xf32, #tpu.memory_space<vmem>>, vector<1x1x50x128xf32>
    %swap3A_62 = vector.shape_cast %swap3A_61 : vector<1x1x50x128xf32> to vector<50x128xf32>
    %swap3A_63 = vector.shape_cast %add3A_56 : vector<50x128xf32> to vector<1x1x50x128xf32>
    tpu.vector_store %arg2[%swap3A_57, %swap3A_58, %swap3A_59, %swap3A_60], %swap3A_63 {strides = array<i32>} : memref<7x7x50x128xf32, #tpu.memory_space<vmem>>, vector<1x1x50x128xf32>,
    %get3A_64 = arith.constant 4 : index
    %get3A_65 = arith.constant 0 : index
    %get3A_66 = vector.load %arg1[%get3A_64, %get3A_65] : memref<6x64xf32, #tpu.memory_space<vmem>>, vector<1x64xf32>
    %get3A_67 = vector.shape_cast %get3A_66 : vector<1x64xf32> to vector<64xf32>
    %concatenate3A_68 = tpu.concatenate %get3A_6, %get3A_67 in 0 : vector<64xf32>, vector<64xf32> -> vector<128xf32>
    %broadcast_in_dim3A_69 = vector.shape_cast %concatenate3A_68 : vector<128xf32> to vector<1x128xf32>
    %add3A_70 = vector.broadcast %broadcast_in_dim3A_69 : vector<1x128xf32> to vector<50x128xf32>
    %add3A_71 = arith.addf %get3A_1, %add3A_70 : vector<50x128xf32>
    %swap3A_72 = arith.constant 0 : index
    %swap3A_73 = arith.constant 4 : index
    %swap3A_74 = arith.constant 0 : index
    %swap3A_75 = arith.constant 0 : index
    %swap3A_76 = vector.load %arg2[%swap3A_72, %swap3A_73, %swap3A_74, %swap3A_75] : memref<7x7x50x128xf32, #tpu.memory_space<vmem>>, vector<1x1x50x128xf32>
    %swap3A_77 = vector.shape_cast %swap3A_76 : vector<1x1x50x128xf32> to vector<50x128xf32>
    %swap3A_78 = vector.shape_cast %add3A_71 : vector<50x128xf32> to vector<1x1x50x128xf32>
    tpu.vector_store %arg2[%swap3A_72, %swap3A_73, %swap3A_74, %swap3A_75], %swap3A_78 {strides = array<i32>} : memref<7x7x50x128xf32, #tpu.memory_space<vmem>>, vector<1x1x50x128xf32>,
    %get3A_79 = arith.constant 5 : index
    %get3A_80 = arith.constant 0 : index
    %get3A_81 = vector.load %arg1[%get3A_79, %get3A_80] : memref<6x64xf32, #tpu.memory_space<vmem>>, vector<1x64xf32>
    %get3A_82 = vector.shape_cast %get3A_81 : vector<1x64xf32> to vector<64xf32>
    %concatenate3A_83 = tpu.concatenate %get3A_6, %get3A_82 in 0 : vector<64xf32>, vector<64xf32> -> vector<128xf32>
    %broadcast_in_dim3A_84 = vector.shape_cast %concatenate3A_83 : vector<128xf32> to vector<1x128xf32>
    %add3A_85 = vector.broadcast %broadcast_in_dim3A_84 : vector<1x128xf32> to vector<50x128xf32>
    %add3A_86 = arith.addf %get3A_1, %add3A_85 : vector<50x128xf32>
    %swap3A_87 = arith.constant 0 : index
    %swap3A_88 = arith.constant 5 : index
    %swap3A_89 = arith.constant 0 : index
    %swap3A_90 = arith.constant 0 : index
    %swap3A_91 = vector.load %arg2[%swap3A_87, %swap3A_88, %swap3A_89, %swap3A_90] : memref<7x7x50x128xf32, #tpu.memory_space<vmem>>, vector<1x1x50x128xf32>
    %swap3A_92 = vector.shape_cast %swap3A_91 : vector<1x1x50x128xf32> to vector<50x128xf32>
    %swap3A_93 = vector.shape_cast %add3A_86 : vector<50x128xf32> to vector<1x1x50x128xf32>
    tpu.vector_store %arg2[%swap3A_87, %swap3A_88, %swap3A_89, %swap3A_90], %swap3A_93 {strides = array<i32>} : memref<7x7x50x128xf32, #tpu.memory_space<vmem>>, vector<1x1x50x128xf32>,
    %concatenate3A_94 = tpu.concatenate %get3A_6, %broadcast_in_dim3A_2 in 0 : vector<64xf32>, vector<64xf32> -> vector<128xf32>
    %broadcast_in_dim3A_95 = vector.shape_cast %concatenate3A_94 : vector<128xf32> to vector<1x128xf32>
    %add3A_96 = vector.broadcast %broadcast_in_dim3A_95 : vector<1x128xf32> to vector<50x128xf32>
    %add3A_97 = arith.addf %get3A_1, %add3A_96 : vector<50x128xf32>
    %swap3A_98 = arith.constant 0 : index
    %swap3A_99 = arith.constant 6 : index
    %swap3A_100 = arith.constant 0 : index
    %swap3A_101 = arith.constant 0 : index
    %swap3A_102 = vector.load %arg2[%swap3A_98, %swap3A_99, %swap3A_100, %swap3A_101] : memref<7x7x50x128xf32, #tpu.memory_space<vmem>>, vector<1x1x50x128xf32>
    %swap3A_103 = vector.shape_cast %swap3A_102 : vector<1x1x50x128xf32> to vector<50x128xf32>
    %swap3A_104 = vector.shape_cast %add3A_97 : vector<50x128xf32> to vector<1x1x50x128xf32>
    tpu.vector_store %arg2[%swap3A_98, %swap3A_99, %swap3A_100, %swap3A_101], %swap3A_104 {strides = array<i32>} : memref<7x7x50x128xf32, #tpu.memory_space<vmem>>, vector<1x1x50x128xf32>,
    %get3A_105 = arith.constant 1 : index
    %get3A_106 = arith.constant 0 : index
    %get3A_107 = vector.load %arg1[%get3A_105, %get3A_106] : memref<6x64xf32, #tpu.memory_space<vmem>>, vector<1x64xf32>
    %get3A_108 = vector.shape_cast %get3A_107 : vector<1x64xf32> to vector<64xf32>
    %get3A_109 = arith.constant 0 : index
    %get3A_110 = arith.constant 0 : index
    %get3A_111 = vector.load %arg1[%get3A_109, %get3A_110] : memref<6x64xf32, #tpu.memory_space<vmem>>, vector<1x64xf32>
    %get3A_112 = vector.shape_cast %get3A_111 : vector<1x64xf32> to vector<64xf32>
    %concatenate3A_113 = tpu.concatenate %get3A_108, %get3A_112 in 0 : vector<64xf32>, vector<64xf32> -> vector<128xf32>
    %broadcast_in_dim3A_114 = vector.shape_cast %concatenate3A_113 : vector<128xf32> to vector<1x128xf32>
    %add3A_115 = vector.broadcast %broadcast_in_dim3A_114 : vector<1x128xf32> to vector<50x128xf32>
    %add3A_116 = arith.addf %get3A_1, %add3A_115 : vector<50x128xf32>
    %swap3A_117 = arith.constant 1 : index
    %swap3A_118 = arith.constant 0 : index
    %swap3A_119 = arith.constant 0 : index
    %swap3A_120 = arith.constant 0 : index
    %swap3A_121 = vector.load %arg2[%swap3A_117, %swap3A_118, %swap3A_119, %swap3A_120] : memref<7x7x50x128xf32, #tpu.memory_space<vmem>>, vector<1x1x50x128xf32>
    %swap3A_122 = vector.shape_cast %swap3A_121 : vector<1x1x50x128xf32> to vector<50x128xf32>
    %swap3A_123 = vector.shape_cast %add3A_116 : vector<50x128xf32> to vector<1x1x50x128xf32>
    tpu.vector_store %arg2[%swap3A_117, %swap3A_118, %swap3A_119, %swap3A_120], %swap3A_123 {strides = array<i32>} : memref<7x7x50x128xf32, #tpu.memory_space<vmem>>, vector<1x1x50x128xf32>,
    %get3A_124 = arith.constant 1 : index
    %get3A_125 = arith.constant 0 : index
    %get3A_126 = vector.load %arg1[%get3A_124, %get3A_125] : memref<6x64xf32, #tpu.memory_space<vmem>>, vector<1x64xf32>
    %get3A_127 = vector.shape_cast %get3A_126 : vector<1x64xf32> to vector<64xf32>
    %concatenate3A_128 = tpu.concatenate %get3A_108, %get3A_127 in 0 : vector<64xf32>, vector<64xf32> -> vector<128xf32>
    %broadcast_in_dim3A_129 = vector.shape_cast %concatenate3A_128 : vector<128xf32> to vector<1x128xf32>
    %add3A_130 = vector.broadcast %broadcast_in_dim3A_129 : vector<1x128xf32> to vector<50x128xf32>
    %add3A_131 = arith.addf %get3A_1, %add3A_130 : vector<50x128xf32>
    %swap3A_132 = arith.constant 1 : index
    %swap3A_133 = arith.constant 1 : index
    %swap3A_134 = arith.constant 0 : index
    %swap3A_135 = arith.constant 0 : index
    %swap3A_136 = vector.load %arg2[%swap3A_132, %swap3A_133, %swap3A_134, %swap3A_135] : memref<7x7x50x128xf32, #tpu.memory_space<vmem>>, vector<1x1x50x128xf32>
    %swap3A_137 = vector.shape_cast %swap3A_136 : vector<1x1x50x128xf32> to vector<50x128xf32>
    %swap3A_138 = vector.shape_cast %add3A_131 : vector<50x128xf32> to vector<1x1x50x128xf32>
    tpu.vector_store %arg2[%swap3A_132, %swap3A_133, %swap3A_134, %swap3A_135], %swap3A_138 {strides = array<i32>} : memref<7x7x50x128xf32, #tpu.memory_space<vmem>>, vector<1x1x50x128xf32>,
    %get3A_139 = arith.constant 2 : index
    %get3A_140 = arith.constant 0 : index
    %get3A_141 = vector.load %arg1[%get3A_139, %get3A_140] : memref<6x64xf32, #tpu.memory_space<vmem>>, vector<1x64xf32>
    %get3A_142 = vector.shape_cast %get3A_141 : vector<1x64xf32> to vector<64xf32>
    %concatenate3A_143 = tpu.concatenate %get3A_108, %get3A_142 in 0 : vector<64xf32>, vector<64xf32> -> vector<128xf32>
    %broadcast_in_dim3A_144 = vector.shape_cast %concatenate3A_143 : vector<128xf32> to vector<1x128xf32>
    %add3A_145 = vector.broadcast %broadcast_in_dim3A_144 : vector<1x128xf32> to vector<50x128xf32>
    %add3A_146 = arith.addf %get3A_1, %add3A_145 : vector<50x128xf32>
    %swap3A_147 = arith.constant 1 : index
    %swap3A_148 = arith.constant 2 : index
    %swap3A_149 = arith.constant 0 : index
    %swap3A_150 = arith.constant 0 : index
    %swap3A_151 = vector.load %arg2[%swap3A_147, %swap3A_148, %swap3A_149, %swap3A_150] : memref<7x7x50x128xf32, #tpu.memory_space<vmem>>, vector<1x1x50x128xf32>
    %swap3A_152 = vector.shape_cast %swap3A_151 : vector<1x1x50x128xf32> to vector<50x128xf32>
    %swap3A_153 = vector.shape_cast %add3A_146 : vector<50x128xf32> to vector<1x1x50x128xf32>
    tpu.vector_store %arg2[%swap3A_147, %swap3A_148, %swap3A_149, %swap3A_150], %swap3A_153 {strides = array<i32>} : memref<7x7x50x128xf32, #tpu.memory_space<vmem>>, vector<1x1x50x128xf32>,
    %get3A_154 = arith.constant 3 : index
    %get3A_155 = arith.constant 0 : index
    %get3A_156 = vector.load %arg1[%get3A_154, %get3A_155] : memref<6x64xf32, #tpu.memory_space<vmem>>, vector<1x64xf32>
    %get3A_157 = vector.shape_cast %get3A_156 : vector<1x64xf32> to vector<64xf32>
    %concatenate3A_158 = tpu.concatenate %get3A_108, %get3A_157 in 0 : vector<64xf32>, vector<64xf32> -> vector<128xf32>
    %broadcast_in_dim3A_159 = vector.shape_cast %concatenate3A_158 : vector<128xf32> to vector<1x128xf32>
    %add3A_160 = vector.broadcast %broadcast_in_dim3A_159 : vector<1x128xf32> to vector<50x128xf32>
    %add3A_161 = arith.addf %get3A_1, %add3A_160 : vector<50x128xf32>
    %swap3A_162 = arith.constant 1 : index
    %swap3A_163 = arith.constant 3 : index
    %swap3A_164 = arith.constant 0 : index
    %swap3A_165 = arith.constant 0 : index
    %swap3A_166 = vector.load %arg2[%swap3A_162, %swap3A_163, %swap3A_164, %swap3A_165] : memref<7x7x50x128xf32, #tpu.memory_space<vmem>>, vector<1x1x50x128xf32>
    %swap3A_167 = vector.shape_cast %swap3A_166 : vector<1x1x50x128xf32> to vector<50x128xf32>
    %swap3A_168 = vector.shape_cast %add3A_161 : vector<50x128xf32> to vector<1x1x50x128xf32>
    tpu.vector_store %arg2[%swap3A_162, %swap3A_163, %swap3A_164, %swap3A_165], %swap3A_168 {strides = array<i32>} : memref<7x7x50x128xf32, #tpu.memory_space<vmem>>, vector<1x1x50x128xf32>,
    %get3A_169 = arith.constant 4 : index
    %get3A_170 = arith.constant 0 : index
    %get3A_171 = vector.load %arg1[%get3A_169, %get3A_170] : memref<6x64xf32, #tpu.memory_space<vmem>>, vector<1x64xf32>
    %get3A_172 = vector.shape_cast %get3A_171 : vector<1x64xf32> to vector<64xf32>
    %concatenate3A_173 = tpu.concatenate %get3A_108, %get3A_172 in 0 : vector<64xf32>, vector<64xf32> -> vector<128xf32>
    %broadcast_in_dim3A_174 = vector.shape_cast %concatenate3A_173 : vector<128xf32> to vector<1x128xf32>
    %add3A_175 = vector.broadcast %broadcast_in_dim3A_174 : vector<1x128xf32> to vector<50x128xf32>
    %add3A_176 = arith.addf %get3A_1, %add3A_175 : vector<50x128xf32>
    %swap3A_177 = arith.constant 1 : index
    %swap3A_178 = arith.constant 4 : index
    %swap3A_179 = arith.constant 0 : index
    %swap3A_180 = arith.constant 0 : index
    %swap3A_181 = vector.load %arg2[%swap3A_177, %swap3A_178, %swap3A_179, %swap3A_180] : memref<7x7x50x128xf32, #tpu.memory_space<vmem>>, vector<1x1x50x128xf32>
    %swap3A_182 = vector.shape_cast %swap3A_181 : vector<1x1x50x128xf32> to vector<50x128xf32>
    %swap3A_183 = vector.shape_cast %add3A_176 : vector<50x128xf32> to vector<1x1x50x128xf32>
    tpu.vector_store %arg2[%swap3A_177, %swap3A_178, %swap3A_179, %swap3A_180], %swap3A_183 {strides = array<i32>} : memref<7x7x50x128xf32, #tpu.memory_space<vmem>>, vector<1x1x50x128xf32>,
    %get3A_184 = arith.constant 5 : index
    %get3A_185 = arith.constant 0 : index
    %get3A_186 = vector.load %arg1[%get3A_184, %get3A_185] : memref<6x64xf32, #tpu.memory_space<vmem>>, vector<1x64xf32>
    %get3A_187 = vector.shape_cast %get3A_186 : vector<1x64xf32> to vector<64xf32>
    %concatenate3A_188 = tpu.concatenate %get3A_108, %get3A_187 in 0 : vector<64xf32>, vector<64xf32> -> vector<128xf32>
    %broadcast_in_dim3A_189 = vector.shape_cast %concatenate3A_188 : vector<128xf32> to vector<1x128xf32>
    %add3A_190 = vector.broadcast %broadcast_in_dim3A_189 : vector<1x128xf32> to vector<50x128xf32>
    %add3A_191 = arith.addf %get3A_1, %add3A_190 : vector<50x128xf32>
    %swap3A_192 = arith.constant 1 : index
    %swap3A_193 = arith.constant 5 : index
    %swap3A_194 = arith.constant 0 : index
    %swap3A_195 = arith.constant 0 : index
    %swap3A_196 = vector.load %arg2[%swap3A_192, %swap3A_193, %swap3A_194, %swap3A_195] : memref<7x7x50x128xf32, #tpu.memory_space<vmem>>, vector<1x1x50x128xf32>
    %swap3A_197 = vector.shape_cast %swap3A_196 : vector<1x1x50x128xf32> to vector<50x128xf32>
    %swap3A_198 = vector.shape_cast %add3A_191 : vector<50x128xf32> to vector<1x1x50x128xf32>
    tpu.vector_store %arg2[%swap3A_192, %swap3A_193, %swap3A_194, %swap3A_195], %swap3A_198 {strides = array<i32>} : memref<7x7x50x128xf32, #tpu.memory_space<vmem>>, vector<1x1x50x128xf32>,
    %concatenate3A_199 = tpu.concatenate %get3A_108, %broadcast_in_dim3A_2 in 0 : vector<64xf32>, vector<64xf32> -> vector<128xf32>
    %broadcast_in_dim3A_200 = vector.shape_cast %concatenate3A_199 : vector<128xf32> to vector<1x128xf32>
    %add3A_201 = vector.broadcast %broadcast_in_dim3A_200 : vector<1x128xf32> to vector<50x128xf32>
    %add3A_202 = arith.addf %get3A_1, %add3A_201 : vector<50x128xf32>
    %swap3A_203 = arith.constant 1 : index
    %swap3A_204 = arith.constant 6 : index
    %swap3A_205 = arith.constant 0 : index
    %swap3A_206 = arith.constant 0 : index
    %swap3A_207 = vector.load %arg2[%swap3A_203, %swap3A_204, %swap3A_205, %swap3A_206] : memref<7x7x50x128xf32, #tpu.memory_space<vmem>>, vector<1x1x50x128xf32>
    %swap3A_208 = vector.shape_cast %swap3A_207 : vector<1x1x50x128xf32> to vector<50x128xf32>
    %swap3A_209 = vector.shape_cast %add3A_202 : vector<50x128xf32> to vector<1x1x50x128xf32>
    tpu.vector_store %arg2[%swap3A_203, %swap3A_204, %swap3A_205, %swap3A_206], %swap3A_209 {strides = array<i32>} : memref<7x7x50x128xf32, #tpu.memory_space<vmem>>, vector<1x1x50x128xf32>,
    %get3A_210 = arith.constant 2 : index
    %get3A_211 = arith.constant 0 : index
    %get3A_212 = vector.load %arg1[%get3A_210, %get3A_211] : memref<6x64xf32, #tpu.memory_space<vmem>>, vector<1x64xf32>
    %get3A_213 = vector.shape_cast %get3A_212 : vector<1x64xf32> to vector<64xf32>
    %get3A_214 = arith.constant 0 : index
    %get3A_215 = arith.constant 0 : index
    %get3A_216 = vector.load %arg1[%get3A_214, %get3A_215] : memref<6x64xf32, #tpu.memory_space<vmem>>, vector<1x64xf32>
    %get3A_217 = vector.shape_cast %get3A_216 : vector<1x64xf32> to vector<64xf32>
    %concatenate3A_218 = tpu.concatenate %get3A_213, %get3A_217 in 0 : vector<64xf32>, vector<64xf32> -> vector<128xf32>
    %broadcast_in_dim3A_219 = vector.shape_cast %concatenate3A_218 : vector<128xf32> to vector<1x128xf32>
    %add3A_220 = vector.broadcast %broadcast_in_dim3A_219 : vector<1x128xf32> to vector<50x128xf32>
    %add3A_221 = arith.addf %get3A_1, %add3A_220 : vector<50x128xf32>
    %swap3A_222 = arith.constant 2 : index
    %swap3A_223 = arith.constant 0 : index
    %swap3A_224 = arith.constant 0 : index
    %swap3A_225 = arith.constant 0 : index
    %swap3A_226 = vector.load %arg2[%swap3A_222, %swap3A_223, %swap3A_224, %swap3A_225] : memref<7x7x50x128xf32, #tpu.memory_space<vmem>>, vector<1x1x50x128xf32>
    %swap3A_227 = vector.shape_cast %swap3A_226 : vector<1x1x50x128xf32> to vector<50x128xf32>
    %swap3A_228 = vector.shape_cast %add3A_221 : vector<50x128xf32> to vector<1x1x50x128xf32>
    tpu.vector_store %arg2[%swap3A_222, %swap3A_223, %swap3A_224, %swap3A_225], %swap3A_228 {strides = array<i32>} : memref<7x7x50x128xf32, #tpu.memory_space<vmem>>, vector<1x1x50x128xf32>,
    %get3A_229 = arith.constant 1 : index
    %get3A_230 = arith.constant 0 : index
    %get3A_231 = vector.load %arg1[%get3A_229, %get3A_230] : memref<6x64xf32, #tpu.memory_space<vmem>>, vector<1x64xf32>
    %get3A_232 = vector.shape_cast %get3A_231 : vector<1x64xf32> to vector<64xf32>
    %concatenate3A_233 = tpu.concatenate %get3A_213, %get3A_232 in 0 : vector<64xf32>, vector<64xf32> -> vector<128xf32>
    %broadcast_in_dim3A_234 = vector.shape_cast %concatenate3A_233 : vector<128xf32> to vector<1x128xf32>
    %add3A_235 = vector.broadcast %broadcast_in_dim3A_234 : vector<1x128xf32> to vector<50x128xf32>
    %add3A_236 = arith.addf %get3A_1, %add3A_235 : vector<50x128xf32>
    %swap3A_237 = arith.constant 2 : index
    %swap3A_238 = arith.constant 1 : index
    %swap3A_239 = arith.constant 0 : index
    %swap3A_240 = arith.constant 0 : index
    %swap3A_241 = vector.load %arg2[%swap3A_237, %swap3A_238, %swap3A_239, %swap3A_240] : memref<7x7x50x128xf32, #tpu.memory_space<vmem>>, vector<1x1x50x128xf32>
    %swap3A_242 = vector.shape_cast %swap3A_241 : vector<1x1x50x128xf32> to vector<50x128xf32>
    %swap3A_243 = vector.shape_cast %add3A_236 : vector<50x128xf32> to vector<1x1x50x128xf32>
    tpu.vector_store %arg2[%swap3A_237, %swap3A_238, %swap3A_239, %swap3A_240], %swap3A_243 {strides = array<i32>} : memref<7x7x50x128xf32, #tpu.memory_space<vmem>>, vector<1x1x50x128xf32>,
    %get3A_244 = arith.constant 2 : index
    %get3A_245 = arith.constant 0 : index
    %get3A_246 = vector.load %arg1[%get3A_244, %get3A_245] : memref<6x64xf32, #tpu.memory_space<vmem>>, vector<1x64xf32>
    %get3A_247 = vector.shape_cast %get3A_246 : vector<1x64xf32> to vector<64xf32>
    %concatenate3A_248 = tpu.concatenate %get3A_213, %get3A_247 in 0 : vector<64xf32>, vector<64xf32> -> vector<128xf32>
    %broadcast_in_dim3A_249 = vector.shape_cast %concatenate3A_248 : vector<128xf32> to vector<1x128xf32>
    %add3A_250 = vector.broadcast %broadcast_in_dim3A_249 : vector<1x128xf32> to vector<50x128xf32>
    %add3A_251 = arith.addf %get3A_1, %add3A_250 : vector<50x128xf32>
    %swap3A_252 = arith.constant 2 : index
    %swap3A_253 = arith.constant 2 : index
    %swap3A_254 = arith.constant 0 : index
    %swap3A_255 = arith.constant 0 : index
    %swap3A_256 = vector.load %arg2[%swap3A_252, %swap3A_253, %swap3A_254, %swap3A_255] : memref<7x7x50x128xf32, #tpu.memory_space<vmem>>, vector<1x1x50x128xf32>
    %swap3A_257 = vector.shape_cast %swap3A_256 : vector<1x1x50x128xf32> to vector<50x128xf32>
    %swap3A_258 = vector.shape_cast %add3A_251 : vector<50x128xf32> to vector<1x1x50x128xf32>
    tpu.vector_store %arg2[%swap3A_252, %swap3A_253, %swap3A_254, %swap3A_255], %swap3A_258 {strides = array<i32>} : memref<7x7x50x128xf32, #tpu.memory_space<vmem>>, vector<1x1x50x128xf32>,
    %get3A_259 = arith.constant 3 : index
    %get3A_260 = arith.constant 0 : index
    %get3A_261 = vector.load %arg1[%get3A_259, %get3A_260] : memref<6x64xf32, #tpu.memory_space<vmem>>, vector<1x64xf32>
    %get3A_262 = vector.shape_cast %get3A_261 : vector<1x64xf32> to vector<64xf32>
    %concatenate3A_263 = tpu.concatenate %get3A_213, %get3A_262 in 0 : vector<64xf32>, vector<64xf32> -> vector<128xf32>
    %broadcast_in_dim3A_264 = vector.shape_cast %concatenate3A_263 : vector<128xf32> to vector<1x128xf32>
    %add3A_265 = vector.broadcast %broadcast_in_dim3A_264 : vector<1x128xf32> to vector<50x128xf32>
    %add3A_266 = arith.addf %get3A_1, %add3A_265 : vector<50x128xf32>
    %swap3A_267 = arith.constant 2 : index
    %swap3A_268 = arith.constant 3 : index
    %swap3A_269 = arith.constant 0 : index
    %swap3A_270 = arith.constant 0 : index
    %swap3A_271 = vector.load %arg2[%swap3A_267, %swap3A_268, %swap3A_269, %swap3A_270] : memref<7x7x50x128xf32, #tpu.memory_space<vmem>>, vector<1x1x50x128xf32>
    %swap3A_272 = vector.shape_cast %swap3A_271 : vector<1x1x50x128xf32> to vector<50x128xf32>
    %swap3A_273 = vector.shape_cast %add3A_266 : vector<50x128xf32> to vector<1x1x50x128xf32>
    tpu.vector_store %arg2[%swap3A_267, %swap3A_268, %swap3A_269, %swap3A_270], %swap3A_273 {strides = array<i32>} : memref<7x7x50x128xf32, #tpu.memory_space<vmem>>, vector<1x1x50x128xf32>,
    %get3A_274 = arith.constant 4 : index
    %get3A_275 = arith.constant 0 : index
    %get3A_276 = vector.load %arg1[%get3A_274, %get3A_275] : memref<6x64xf32, #tpu.memory_space<vmem>>, vector<1x64xf32>
    %get3A_277 = vector.shape_cast %get3A_276 : vector<1x64xf32> to vector<64xf32>
    %concatenate3A_278 = tpu.concatenate %get3A_213, %get3A_277 in 0 : vector<64xf32>, vector<64xf32> -> vector<128xf32>
    %broadcast_in_dim3A_279 = vector.shape_cast %concatenate3A_278 : vector<128xf32> to vector<1x128xf32>
    %add3A_280 = vector.broadcast %broadcast_in_dim3A_279 : vector<1x128xf32> to vector<50x128xf32>
    %add3A_281 = arith.addf %get3A_1, %add3A_280 : vector<50x128xf32>
    %swap3A_282 = arith.constant 2 : index
    %swap3A_283 = arith.constant 4 : index
    %swap3A_284 = arith.constant 0 : index
    %swap3A_285 = arith.constant 0 : index
    %swap3A_286 = vector.load %arg2[%swap3A_282, %swap3A_283, %swap3A_284, %swap3A_285] : memref<7x7x50x128xf32, #tpu.memory_space<vmem>>, vector<1x1x50x128xf32>
    %swap3A_287 = vector.shape_cast %swap3A_286 : vector<1x1x50x128xf32> to vector<50x128xf32>
    %swap3A_288 = vector.shape_cast %add3A_281 : vector<50x128xf32> to vector<1x1x50x128xf32>
    tpu.vector_store %arg2[%swap3A_282, %swap3A_283, %swap3A_284, %swap3A_285], %swap3A_288 {strides = array<i32>} : memref<7x7x50x128xf32, #tpu.memory_space<vmem>>, vector<1x1x50x128xf32>,
    %get3A_289 = arith.constant 5 : index
    %get3A_290 = arith.constant 0 : index
    %get3A_291 = vector.load %arg1[%get3A_289, %get3A_290] : memref<6x64xf32, #tpu.memory_space<vmem>>, vector<1x64xf32>
    %get3A_292 = vector.shape_cast %get3A_291 : vector<1x64xf32> to vector<64xf32>
    %concatenate3A_293 = tpu.concatenate %get3A_213, %get3A_292 in 0 : vector<64xf32>, vector<64xf32> -> vector<128xf32>
    %broadcast_in_dim3A_294 = vector.shape_cast %concatenate3A_293 : vector<128xf32> to vector<1x128xf32>
    %add3A_295 = vector.broadcast %broadcast_in_dim3A_294 : vector<1x128xf32> to vector<50x128xf32>
    %add3A_296 = arith.addf %get3A_1, %add3A_295 : vector<50x128xf32>
    %swap3A_297 = arith.constant 2 : index
    %swap3A_298 = arith.constant 5 : index
    %swap3A_299 = arith.constant 0 : index
    %swap3A_300 = arith.constant 0 : index
    %swap3A_301 = vector.load %arg2[%swap3A_297, %swap3A_298, %swap3A_299, %swap3A_300] : memref<7x7x50x128xf32, #tpu.memory_space<vmem>>, vector<1x1x50x128xf32>
    %swap3A_302 = vector.shape_cast %swap3A_301 : vector<1x1x50x128xf32> to vector<50x128xf32>
    %swap3A_303 = vector.shape_cast %add3A_296 : vector<50x128xf32> to vector<1x1x50x128xf32>
    tpu.vector_store %arg2[%swap3A_297, %swap3A_298, %swap3A_299, %swap3A_300], %swap3A_303 {strides = array<i32>} : memref<7x7x50x128xf32, #tpu.memory_space<vmem>>, vector<1x1x50x128xf32>,
    %concatenate3A_304 = tpu.concatenate %get3A_213, %broadcast_in_dim3A_2 in 0 : vector<64xf32>, vector<64xf32> -> vector<128xf32>
    %broadcast_in_dim3A_305 = vector.shape_cast %concatenate3A_304 : vector<128xf32> to vector<1x128xf32>
    %add3A_306 = vector.broadcast %broadcast_in_dim3A_305 : vector<1x128xf32> to vector<50x128xf32>
    %add3A_307 = arith.addf %get3A_1, %add3A_306 : vector<50x128xf32>
    %swap3A_308 = arith.constant 2 : index
    %swap3A_309 = arith.constant 6 : index
    %swap3A_310 = arith.constant 0 : index
    %swap3A_311 = arith.constant 0 : index
    %swap3A_312 = vector.load %arg2[%swap3A_308, %swap3A_309, %swap3A_310, %swap3A_311] : memref<7x7x50x128xf32, #tpu.memory_space<vmem>>, vector<1x1x50x128xf32>
    %swap3A_313 = vector.shape_cast %swap3A_312 : vector<1x1x50x128xf32> to vector<50x128xf32>
    %swap3A_314 = vector.shape_cast %add3A_307 : vector<50x128xf32> to vector<1x1x50x128xf32>
    tpu.vector_store %arg2[%swap3A_308, %swap3A_309, %swap3A_310, %swap3A_311], %swap3A_314 {strides = array<i32>} : memref<7x7x50x128xf32, #tpu.memory_space<vmem>>, vector<1x1x50x128xf32>,
    %get3A_315 = arith.constant 3 : index
    %get3A_316 = arith.constant 0 : index
    %get3A_317 = vector.load %arg1[%get3A_315, %get3A_316] : memref<6x64xf32, #tpu.memory_space<vmem>>, vector<1x64xf32>
    %get3A_318 = vector.shape_cast %get3A_317 : vector<1x64xf32> to vector<64xf32>
    %get3A_319 = arith.constant 0 : index
    %get3A_320 = arith.constant 0 : index
    %get3A_321 = vector.load %arg1[%get3A_319, %get3A_320] : memref<6x64xf32, #tpu.memory_space<vmem>>, vector<1x64xf32>
    %get3A_322 = vector.shape_cast %get3A_321 : vector<1x64xf32> to vector<64xf32>
    %concatenate3A_323 = tpu.concatenate %get3A_318, %get3A_322 in 0 : vector<64xf32>, vector<64xf32> -> vector<128xf32>
    %broadcast_in_dim3A_324 = vector.shape_cast %concatenate3A_323 : vector<128xf32> to vector<1x128xf32>
    %add3A_325 = vector.broadcast %broadcast_in_dim3A_324 : vector<1x128xf32> to vector<50x128xf32>
    %add3A_326 = arith.addf %get3A_1, %add3A_325 : vector<50x128xf32>
    %swap3A_327 = arith.constant 3 : index
    %swap3A_328 = arith.constant 0 : index
    %swap3A_329 = arith.constant 0 : index
    %swap3A_330 = arith.constant 0 : index
    %swap3A_331 = vector.load %arg2[%swap3A_327, %swap3A_328, %swap3A_329, %swap3A_330] : memref<7x7x50x128xf32, #tpu.memory_space<vmem>>, vector<1x1x50x128xf32>
    %swap3A_332 = vector.shape_cast %swap3A_331 : vector<1x1x50x128xf32> to vector<50x128xf32>
    %swap3A_333 = vector.shape_cast %add3A_326 : vector<50x128xf32> to vector<1x1x50x128xf32>
    tpu.vector_store %arg2[%swap3A_327, %swap3A_328, %swap3A_329, %swap3A_330], %swap3A_333 {strides = array<i32>} : memref<7x7x50x128xf32, #tpu.memory_space<vmem>>, vector<1x1x50x128xf32>,
    %get3A_334 = arith.constant 1 : index
    %get3A_335 = arith.constant 0 : index
    %get3A_336 = vector.load %arg1[%get3A_334, %get3A_335] : memref<6x64xf32, #tpu.memory_space<vmem>>, vector<1x64xf32>
    %get3A_337 = vector.shape_cast %get3A_336 : vector<1x64xf32> to vector<64xf32>
    %concatenate3A_338 = tpu.concatenate %get3A_318, %get3A_337 in 0 : vector<64xf32>, vector<64xf32> -> vector<128xf32>
    %broadcast_in_dim3A_339 = vector.shape_cast %concatenate3A_338 : vector<128xf32> to vector<1x128xf32>
    %add3A_340 = vector.broadcast %broadcast_in_dim3A_339 : vector<1x128xf32> to vector<50x128xf32>
    %add3A_341 = arith.addf %get3A_1, %add3A_340 : vector<50x128xf32>
    %swap3A_342 = arith.constant 3 : index
    %swap3A_343 = arith.constant 1 : index
    %swap3A_344 = arith.constant 0 : index
    %swap3A_345 = arith.constant 0 : index
    %swap3A_346 = vector.load %arg2[%swap3A_342, %swap3A_343, %swap3A_344, %swap3A_345] : memref<7x7x50x128xf32, #tpu.memory_space<vmem>>, vector<1x1x50x128xf32>
    %swap3A_347 = vector.shape_cast %swap3A_346 : vector<1x1x50x128xf32> to vector<50x128xf32>
    %swap3A_348 = vector.shape_cast %add3A_341 : vector<50x128xf32> to vector<1x1x50x128xf32>
    tpu.vector_store %arg2[%swap3A_342, %swap3A_343, %swap3A_344, %swap3A_345], %swap3A_348 {strides = array<i32>} : memref<7x7x50x128xf32, #tpu.memory_space<vmem>>, vector<1x1x50x128xf32>,
    %get3A_349 = arith.constant 2 : index
    %get3A_350 = arith.constant 0 : index
    %get3A_351 = vector.load %arg1[%get3A_349, %get3A_350] : memref<6x64xf32, #tpu.memory_space<vmem>>, vector<1x64xf32>
    %get3A_352 = vector.shape_cast %get3A_351 : vector<1x64xf32> to vector<64xf32>
    %concatenate3A_353 = tpu.concatenate %get3A_318, %get3A_352 in 0 : vector<64xf32>, vector<64xf32> -> vector<128xf32>
    %broadcast_in_dim3A_354 = vector.shape_cast %concatenate3A_353 : vector<128xf32> to vector<1x128xf32>
    %add3A_355 = vector.broadcast %broadcast_in_dim3A_354 : vector<1x128xf32> to vector<50x128xf32>
    %add3A_356 = arith.addf %get3A_1, %add3A_355 : vector<50x128xf32>
    %swap3A_357 = arith.constant 3 : index
    %swap3A_358 = arith.constant 2 : index
    %swap3A_359 = arith.constant 0 : index
    %swap3A_360 = arith.constant 0 : index
    %swap3A_361 = vector.load %arg2[%swap3A_357, %swap3A_358, %swap3A_359, %swap3A_360] : memref<7x7x50x128xf32, #tpu.memory_space<vmem>>, vector<1x1x50x128xf32>
    %swap3A_362 = vector.shape_cast %swap3A_361 : vector<1x1x50x128xf32> to vector<50x128xf32>
    %swap3A_363 = vector.shape_cast %add3A_356 : vector<50x128xf32> to vector<1x1x50x128xf32>
    tpu.vector_store %arg2[%swap3A_357, %swap3A_358, %swap3A_359, %swap3A_360], %swap3A_363 {strides = array<i32>} : memref<7x7x50x128xf32, #tpu.memory_space<vmem>>, vector<1x1x50x128xf32>,
    %get3A_364 = arith.constant 3 : index
    %get3A_365 = arith.constant 0 : index
    %get3A_366 = vector.load %arg1[%get3A_364, %get3A_365] : memref<6x64xf32, #tpu.memory_space<vmem>>, vector<1x64xf32>
    %get3A_367 = vector.shape_cast %get3A_366 : vector<1x64xf32> to vector<64xf32>
    %concatenate3A_368 = tpu.concatenate %get3A_318, %get3A_367 in 0 : vector<64xf32>, vector<64xf32> -> vector<128xf32>
    %broadcast_in_dim3A_369 = vector.shape_cast %concatenate3A_368 : vector<128xf32> to vector<1x128xf32>
    %add3A_370 = vector.broadcast %broadcast_in_dim3A_369 : vector<1x128xf32> to vector<50x128xf32>
    %add3A_371 = arith.addf %get3A_1, %add3A_370 : vector<50x128xf32>
    %swap3A_372 = arith.constant 3 : index
    %swap3A_373 = arith.constant 3 : index
    %swap3A_374 = arith.constant 0 : index
    %swap3A_375 = arith.constant 0 : index
    %swap3A_376 = vector.load %arg2[%swap3A_372, %swap3A_373, %swap3A_374, %swap3A_375] : memref<7x7x50x128xf32, #tpu.memory_space<vmem>>, vector<1x1x50x128xf32>
    %swap3A_377 = vector.shape_cast %swap3A_376 : vector<1x1x50x128xf32> to vector<50x128xf32>
    %swap3A_378 = vector.shape_cast %add3A_371 : vector<50x128xf32> to vector<1x1x50x128xf32>
    tpu.vector_store %arg2[%swap3A_372, %swap3A_373, %swap3A_374, %swap3A_375], %swap3A_378 {strides = array<i32>} : memref<7x7x50x128xf32, #tpu.memory_space<vmem>>, vector<1x1x50x128xf32>,
    %get3A_379 = arith.constant 4 : index
    %get3A_380 = arith.constant 0 : index
    %get3A_381 = vector.load %arg1[%get3A_379, %get3A_380] : memref<6x64xf32, #tpu.memory_space<vmem>>, vector<1x64xf32>
    %get3A_382 = vector.shape_cast %get3A_381 : vector<1x64xf32> to vector<64xf32>
    %concatenate3A_383 = tpu.concatenate %get3A_318, %get3A_382 in 0 : vector<64xf32>, vector<64xf32> -> vector<128xf32>
    %broadcast_in_dim3A_384 = vector.shape_cast %concatenate3A_383 : vector<128xf32> to vector<1x128xf32>
    %add3A_385 = vector.broadcast %broadcast_in_dim3A_384 : vector<1x128xf32> to vector<50x128xf32>
    %add3A_386 = arith.addf %get3A_1, %add3A_385 : vector<50x128xf32>
    %swap3A_387 = arith.constant 3 : index
    %swap3A_388 = arith.constant 4 : index
    %swap3A_389 = arith.constant 0 : index
    %swap3A_390 = arith.constant 0 : index
    %swap3A_391 = vector.load %arg2[%swap3A_387, %swap3A_388, %swap3A_389, %swap3A_390] : memref<7x7x50x128xf32, #tpu.memory_space<vmem>>, vector<1x1x50x128xf32>
    %swap3A_392 = vector.shape_cast %swap3A_391 : vector<1x1x50x128xf32> to vector<50x128xf32>
    %swap3A_393 = vector.shape_cast %add3A_386 : vector<50x128xf32> to vector<1x1x50x128xf32>
    tpu.vector_store %arg2[%swap3A_387, %swap3A_388, %swap3A_389, %swap3A_390], %swap3A_393 {strides = array<i32>} : memref<7x7x50x128xf32, #tpu.memory_space<vmem>>, vector<1x1x50x128xf32>,
    %get3A_394 = arith.constant 5 : index
    %get3A_395 = arith.constant 0 : index
    %get3A_396 = vector.load %arg1[%get3A_394, %get3A_395] : memref<6x64xf32, #tpu.memory_space<vmem>>, vector<1x64xf32>
    %get3A_397 = vector.shape_cast %get3A_396 : vector<1x64xf32> to vector<64xf32>
    %concatenate3A_398 = tpu.concatenate %get3A_318, %get3A_397 in 0 : vector<64xf32>, vector<64xf32> -> vector<128xf32>
    %broadcast_in_dim3A_399 = vector.shape_cast %concatenate3A_398 : vector<128xf32> to vector<1x128xf32>
    %add3A_400 = vector.broadcast %broadcast_in_dim3A_399 : vector<1x128xf32> to vector<50x128xf32>
    %add3A_401 = arith.addf %get3A_1, %add3A_400 : vector<50x128xf32>
    %swap3A_402 = arith.constant 3 : index
    %swap3A_403 = arith.constant 5 : index
    %swap3A_404 = arith.constant 0 : index
    %swap3A_405 = arith.constant 0 : index
    %swap3A_406 = vector.load %arg2[%swap3A_402, %swap3A_403, %swap3A_404, %swap3A_405] : memref<7x7x50x128xf32, #tpu.memory_space<vmem>>, vector<1x1x50x128xf32>
    %swap3A_407 = vector.shape_cast %swap3A_406 : vector<1x1x50x128xf32> to vector<50x128xf32>
    %swap3A_408 = vector.shape_cast %add3A_401 : vector<50x128xf32> to vector<1x1x50x128xf32>
    tpu.vector_store %arg2[%swap3A_402, %swap3A_403, %swap3A_404, %swap3A_405], %swap3A_408 {strides = array<i32>} : memref<7x7x50x128xf32, #tpu.memory_space<vmem>>, vector<1x1x50x128xf32>,
    %concatenate3A_409 = tpu.concatenate %get3A_318, %broadcast_in_dim3A_2 in 0 : vector<64xf32>, vector<64xf32> -> vector<128xf32>
    %broadcast_in_dim3A_410 = vector.shape_cast %concatenate3A_409 : vector<128xf32> to vector<1x128xf32>
    %add3A_411 = vector.broadcast %broadcast_in_dim3A_410 : vector<1x128xf32> to vector<50x128xf32>
    %add3A_412 = arith.addf %get3A_1, %add3A_411 : vector<50x128xf32>
    %swap3A_413 = arith.constant 3 : index
    %swap3A_414 = arith.constant 6 : index
    %swap3A_415 = arith.constant 0 : index
    %swap3A_416 = arith.constant 0 : index
    %swap3A_417 = vector.load %arg2[%swap3A_413, %swap3A_414, %swap3A_415, %swap3A_416] : memref<7x7x50x128xf32, #tpu.memory_space<vmem>>, vector<1x1x50x128xf32>
    %swap3A_418 = vector.shape_cast %swap3A_417 : vector<1x1x50x128xf32> to vector<50x128xf32>
    %swap3A_419 = vector.shape_cast %add3A_412 : vector<50x128xf32> to vector<1x1x50x128xf32>
    tpu.vector_store %arg2[%swap3A_413, %swap3A_414, %swap3A_415, %swap3A_416], %swap3A_419 {strides = array<i32>} : memref<7x7x50x128xf32, #tpu.memory_space<vmem>>, vector<1x1x50x128xf32>,
    %get3A_420 = arith.constant 4 : index
    %get3A_421 = arith.constant 0 : index
    %get3A_422 = vector.load %arg1[%get3A_420, %get3A_421] : memref<6x64xf32, #tpu.memory_space<vmem>>, vector<1x64xf32>
    %get3A_423 = vector.shape_cast %get3A_422 : vector<1x64xf32> to vector<64xf32>
    %get3A_424 = arith.constant 0 : index
    %get3A_425 = arith.constant 0 : index
    %get3A_426 = vector.load %arg1[%get3A_424, %get3A_425] : memref<6x64xf32, #tpu.memory_space<vmem>>, vector<1x64xf32>
    %get3A_427 = vector.shape_cast %get3A_426 : vector<1x64xf32> to vector<64xf32>
    %concatenate3A_428 = tpu.concatenate %get3A_423, %get3A_427 in 0 : vector<64xf32>, vector<64xf32> -> vector<128xf32>
    %broadcast_in_dim3A_429 = vector.shape_cast %concatenate3A_428 : vector<128xf32> to vector<1x128xf32>
    %add3A_430 = vector.broadcast %broadcast_in_dim3A_429 : vector<1x128xf32> to vector<50x128xf32>
    %add3A_431 = arith.addf %get3A_1, %add3A_430 : vector<50x128xf32>
    %swap3A_432 = arith.constant 4 : index
    %swap3A_433 = arith.constant 0 : index
    %swap3A_434 = arith.constant 0 : index
    %swap3A_435 = arith.constant 0 : index
    %swap3A_436 = vector.load %arg2[%swap3A_432, %swap3A_433, %swap3A_434, %swap3A_435] : memref<7x7x50x128xf32, #tpu.memory_space<vmem>>, vector<1x1x50x128xf32>
    %swap3A_437 = vector.shape_cast %swap3A_436 : vector<1x1x50x128xf32> to vector<50x128xf32>
    %swap3A_438 = vector.shape_cast %add3A_431 : vector<50x128xf32> to vector<1x1x50x128xf32>
    tpu.vector_store %arg2[%swap3A_432, %swap3A_433, %swap3A_434, %swap3A_435], %swap3A_438 {strides = array<i32>} : memref<7x7x50x128xf32, #tpu.memory_space<vmem>>, vector<1x1x50x128xf32>,
    %get3A_439 = arith.constant 1 : index
    %get3A_440 = arith.constant 0 : index
    %get3A_441 = vector.load %arg1[%get3A_439, %get3A_440] : memref<6x64xf32, #tpu.memory_space<vmem>>, vector<1x64xf32>
    %get3A_442 = vector.shape_cast %get3A_441 : vector<1x64xf32> to vector<64xf32>
    %concatenate3A_443 = tpu.concatenate %get3A_423, %get3A_442 in 0 : vector<64xf32>, vector<64xf32> -> vector<128xf32>
    %broadcast_in_dim3A_444 = vector.shape_cast %concatenate3A_443 : vector<128xf32> to vector<1x128xf32>
    %add3A_445 = vector.broadcast %broadcast_in_dim3A_444 : vector<1x128xf32> to vector<50x128xf32>
    %add3A_446 = arith.addf %get3A_1, %add3A_445 : vector<50x128xf32>
    %swap3A_447 = arith.constant 4 : index
    %swap3A_448 = arith.constant 1 : index
    %swap3A_449 = arith.constant 0 : index
    %swap3A_450 = arith.constant 0 : index
    %swap3A_451 = vector.load %arg2[%swap3A_447, %swap3A_448, %swap3A_449, %swap3A_450] : memref<7x7x50x128xf32, #tpu.memory_space<vmem>>, vector<1x1x50x128xf32>
    %swap3A_452 = vector.shape_cast %swap3A_451 : vector<1x1x50x128xf32> to vector<50x128xf32>
    %swap3A_453 = vector.shape_cast %add3A_446 : vector<50x128xf32> to vector<1x1x50x128xf32>
    tpu.vector_store %arg2[%swap3A_447, %swap3A_448, %swap3A_449, %swap3A_450], %swap3A_453 {strides = array<i32>} : memref<7x7x50x128xf32, #tpu.memory_space<vmem>>, vector<1x1x50x128xf32>,
    %get3A_454 = arith.constant 2 : index
    %get3A_455 = arith.constant 0 : index
    %get3A_456 = vector.load %arg1[%get3A_454, %get3A_455] : memref<6x64xf32, #tpu.memory_space<vmem>>, vector<1x64xf32>
    %get3A_457 = vector.shape_cast %get3A_456 : vector<1x64xf32> to vector<64xf32>
    %concatenate3A_458 = tpu.concatenate %get3A_423, %get3A_457 in 0 : vector<64xf32>, vector<64xf32> -> vector<128xf32>
    %broadcast_in_dim3A_459 = vector.shape_cast %concatenate3A_458 : vector<128xf32> to vector<1x128xf32>
    %add3A_460 = vector.broadcast %broadcast_in_dim3A_459 : vector<1x128xf32> to vector<50x128xf32>
    %add3A_461 = arith.addf %get3A_1, %add3A_460 : vector<50x128xf32>
    %swap3A_462 = arith.constant 4 : index
    %swap3A_463 = arith.constant 2 : index
    %swap3A_464 = arith.constant 0 : index
    %swap3A_465 = arith.constant 0 : index
    %swap3A_466 = vector.load %arg2[%swap3A_462, %swap3A_463, %swap3A_464, %swap3A_465] : memref<7x7x50x128xf32, #tpu.memory_space<vmem>>, vector<1x1x50x128xf32>
    %swap3A_467 = vector.shape_cast %swap3A_466 : vector<1x1x50x128xf32> to vector<50x128xf32>
    %swap3A_468 = vector.shape_cast %add3A_461 : vector<50x128xf32> to vector<1x1x50x128xf32>
    tpu.vector_store %arg2[%swap3A_462, %swap3A_463, %swap3A_464, %swap3A_465], %swap3A_468 {strides = array<i32>} : memref<7x7x50x128xf32, #tpu.memory_space<vmem>>, vector<1x1x50x128xf32>,
    %get3A_469 = arith.constant 3 : index
    %get3A_470 = arith.constant 0 : index
    %get3A_471 = vector.load %arg1[%get3A_469, %get3A_470] : memref<6x64xf32, #tpu.memory_space<vmem>>, vector<1x64xf32>
    %get3A_472 = vector.shape_cast %get3A_471 : vector<1x64xf32> to vector<64xf32>
    %concatenate3A_473 = tpu.concatenate %get3A_423, %get3A_472 in 0 : vector<64xf32>, vector<64xf32> -> vector<128xf32>
    %broadcast_in_dim3A_474 = vector.shape_cast %concatenate3A_473 : vector<128xf32> to vector<1x128xf32>
    %add3A_475 = vector.broadcast %broadcast_in_dim3A_474 : vector<1x128xf32> to vector<50x128xf32>
    %add3A_476 = arith.addf %get3A_1, %add3A_475 : vector<50x128xf32>
    %swap3A_477 = arith.constant 4 : index
    %swap3A_478 = arith.constant 3 : index
    %swap3A_479 = arith.constant 0 : index
    %swap3A_480 = arith.constant 0 : index
    %swap3A_481 = vector.load %arg2[%swap3A_477, %swap3A_478, %swap3A_479, %swap3A_480] : memref<7x7x50x128xf32, #tpu.memory_space<vmem>>, vector<1x1x50x128xf32>
    %swap3A_482 = vector.shape_cast %swap3A_481 : vector<1x1x50x128xf32> to vector<50x128xf32>
    %swap3A_483 = vector.shape_cast %add3A_476 : vector<50x128xf32> to vector<1x1x50x128xf32>
    tpu.vector_store %arg2[%swap3A_477, %swap3A_478, %swap3A_479, %swap3A_480], %swap3A_483 {strides = array<i32>} : memref<7x7x50x128xf32, #tpu.memory_space<vmem>>, vector<1x1x50x128xf32>,
    %get3A_484 = arith.constant 4 : index
    %get3A_485 = arith.constant 0 : index
    %get3A_486 = vector.load %arg1[%get3A_484, %get3A_485] : memref<6x64xf32, #tpu.memory_space<vmem>>, vector<1x64xf32>
    %get3A_487 = vector.shape_cast %get3A_486 : vector<1x64xf32> to vector<64xf32>
    %concatenate3A_488 = tpu.concatenate %get3A_423, %get3A_487 in 0 : vector<64xf32>, vector<64xf32> -> vector<128xf32>
    %broadcast_in_dim3A_489 = vector.shape_cast %concatenate3A_488 : vector<128xf32> to vector<1x128xf32>
    %add3A_490 = vector.broadcast %broadcast_in_dim3A_489 : vector<1x128xf32> to vector<50x128xf32>
    %add3A_491 = arith.addf %get3A_1, %add3A_490 : vector<50x128xf32>
    %swap3A_492 = arith.constant 4 : index
    %swap3A_493 = arith.constant 4 : index
    %swap3A_494 = arith.constant 0 : index
    %swap3A_495 = arith.constant 0 : index
    %swap3A_496 = vector.load %arg2[%swap3A_492, %swap3A_493, %swap3A_494, %swap3A_495] : memref<7x7x50x128xf32, #tpu.memory_space<vmem>>, vector<1x1x50x128xf32>
    %swap3A_497 = vector.shape_cast %swap3A_496 : vector<1x1x50x128xf32> to vector<50x128xf32>
    %swap3A_498 = vector.shape_cast %add3A_491 : vector<50x128xf32> to vector<1x1x50x128xf32>
    tpu.vector_store %arg2[%swap3A_492, %swap3A_493, %swap3A_494, %swap3A_495], %swap3A_498 {strides = array<i32>} : memref<7x7x50x128xf32, #tpu.memory_space<vmem>>, vector<1x1x50x128xf32>,
    %get3A_499 = arith.constant 5 : index
    %get3A_500 = arith.constant 0 : index
    %get3A_501 = vector.load %arg1[%get3A_499, %get3A_500] : memref<6x64xf32, #tpu.memory_space<vmem>>, vector<1x64xf32>
    %get3A_502 = vector.shape_cast %get3A_501 : vector<1x64xf32> to vector<64xf32>
    %concatenate3A_503 = tpu.concatenate %get3A_423, %get3A_502 in 0 : vector<64xf32>, vector<64xf32> -> vector<128xf32>
    %broadcast_in_dim3A_504 = vector.shape_cast %concatenate3A_503 : vector<128xf32> to vector<1x128xf32>
    %add3A_505 = vector.broadcast %broadcast_in_dim3A_504 : vector<1x128xf32> to vector<50x128xf32>
    %add3A_506 = arith.addf %get3A_1, %add3A_505 : vector<50x128xf32>
    %swap3A_507 = arith.constant 4 : index
    %swap3A_508 = arith.constant 5 : index
    %swap3A_509 = arith.constant 0 : index
    %swap3A_510 = arith.constant 0 : index
    %swap3A_511 = vector.load %arg2[%swap3A_507, %swap3A_508, %swap3A_509, %swap3A_510] : memref<7x7x50x128xf32, #tpu.memory_space<vmem>>, vector<1x1x50x128xf32>
    %swap3A_512 = vector.shape_cast %swap3A_511 : vector<1x1x50x128xf32> to vector<50x128xf32>
    %swap3A_513 = vector.shape_cast %add3A_506 : vector<50x128xf32> to vector<1x1x50x128xf32>
    tpu.vector_store %arg2[%swap3A_507, %swap3A_508, %swap3A_509, %swap3A_510], %swap3A_513 {strides = array<i32>} : memref<7x7x50x128xf32, #tpu.memory_space<vmem>>, vector<1x1x50x128xf32>,
    %concatenate3A_514 = tpu.concatenate %get3A_423, %broadcast_in_dim3A_2 in 0 : vector<64xf32>, vector<64xf32> -> vector<128xf32>
    %broadcast_in_dim3A_515 = vector.shape_cast %concatenate3A_514 : vector<128xf32> to vector<1x128xf32>
    %add3A_516 = vector.broadcast %broadcast_in_dim3A_515 : vector<1x128xf32> to vector<50x128xf32>
    %add3A_517 = arith.addf %get3A_1, %add3A_516 : vector<50x128xf32>
    %swap3A_518 = arith.constant 4 : index
    %swap3A_519 = arith.constant 6 : index
    %swap3A_520 = arith.constant 0 : index
    %swap3A_521 = arith.constant 0 : index
    %swap3A_522 = vector.load %arg2[%swap3A_518, %swap3A_519, %swap3A_520, %swap3A_521] : memref<7x7x50x128xf32, #tpu.memory_space<vmem>>, vector<1x1x50x128xf32>
    %swap3A_523 = vector.shape_cast %swap3A_522 : vector<1x1x50x128xf32> to vector<50x128xf32>
    %swap3A_524 = vector.shape_cast %add3A_517 : vector<50x128xf32> to vector<1x1x50x128xf32>
    tpu.vector_store %arg2[%swap3A_518, %swap3A_519, %swap3A_520, %swap3A_521], %swap3A_524 {strides = array<i32>} : memref<7x7x50x128xf32, #tpu.memory_space<vmem>>, vector<1x1x50x128xf32>,
    %get3A_525 = arith.constant 5 : index
    %get3A_526 = arith.constant 0 : index
    %get3A_527 = vector.load %arg1[%get3A_525, %get3A_526] : memref<6x64xf32, #tpu.memory_space<vmem>>, vector<1x64xf32>
    %get3A_528 = vector.shape_cast %get3A_527 : vector<1x64xf32> to vector<64xf32>
    %get3A_529 = arith.constant 0 : index
    %get3A_530 = arith.constant 0 : index
    %get3A_531 = vector.load %arg1[%get3A_529, %get3A_530] : memref<6x64xf32, #tpu.memory_space<vmem>>, vector<1x64xf32>
    %get3A_532 = vector.shape_cast %get3A_531 : vector<1x64xf32> to vector<64xf32>
    %concatenate3A_533 = tpu.concatenate %get3A_528, %get3A_532 in 0 : vector<64xf32>, vector<64xf32> -> vector<128xf32>
    %broadcast_in_dim3A_534 = vector.shape_cast %concatenate3A_533 : vector<128xf32> to vector<1x128xf32>
    %add3A_535 = vector.broadcast %broadcast_in_dim3A_534 : vector<1x128xf32> to vector<50x128xf32>
    %add3A_536 = arith.addf %get3A_1, %add3A_535 : vector<50x128xf32>
    %swap3A_537 = arith.constant 5 : index
    %swap3A_538 = arith.constant 0 : index
    %swap3A_539 = arith.constant 0 : index
    %swap3A_540 = arith.constant 0 : index
    %swap3A_541 = vector.load %arg2[%swap3A_537, %swap3A_538, %swap3A_539, %swap3A_540] : memref<7x7x50x128xf32, #tpu.memory_space<vmem>>, vector<1x1x50x128xf32>
    %swap3A_542 = vector.shape_cast %swap3A_541 : vector<1x1x50x128xf32> to vector<50x128xf32>
    %swap3A_543 = vector.shape_cast %add3A_536 : vector<50x128xf32> to vector<1x1x50x128xf32>
    tpu.vector_store %arg2[%swap3A_537, %swap3A_538, %swap3A_539, %swap3A_540], %swap3A_543 {strides = array<i32>} : memref<7x7x50x128xf32, #tpu.memory_space<vmem>>, vector<1x1x50x128xf32>,
    %get3A_544 = arith.constant 1 : index
    %get3A_545 = arith.constant 0 : index
    %get3A_546 = vector.load %arg1[%get3A_544, %get3A_545] : memref<6x64xf32, #tpu.memory_space<vmem>>, vector<1x64xf32>
    %get3A_547 = vector.shape_cast %get3A_546 : vector<1x64xf32> to vector<64xf32>
    %concatenate3A_548 = tpu.concatenate %get3A_528, %get3A_547 in 0 : vector<64xf32>, vector<64xf32> -> vector<128xf32>
    %broadcast_in_dim3A_549 = vector.shape_cast %concatenate3A_548 : vector<128xf32> to vector<1x128xf32>
    %add3A_550 = vector.broadcast %broadcast_in_dim3A_549 : vector<1x128xf32> to vector<50x128xf32>
    %add3A_551 = arith.addf %get3A_1, %add3A_550 : vector<50x128xf32>
    %swap3A_552 = arith.constant 5 : index
    %swap3A_553 = arith.constant 1 : index
    %swap3A_554 = arith.constant 0 : index
    %swap3A_555 = arith.constant 0 : index
    %swap3A_556 = vector.load %arg2[%swap3A_552, %swap3A_553, %swap3A_554, %swap3A_555] : memref<7x7x50x128xf32, #tpu.memory_space<vmem>>, vector<1x1x50x128xf32>
    %swap3A_557 = vector.shape_cast %swap3A_556 : vector<1x1x50x128xf32> to vector<50x128xf32>
    %swap3A_558 = vector.shape_cast %add3A_551 : vector<50x128xf32> to vector<1x1x50x128xf32>
    tpu.vector_store %arg2[%swap3A_552, %swap3A_553, %swap3A_554, %swap3A_555], %swap3A_558 {strides = array<i32>} : memref<7x7x50x128xf32, #tpu.memory_space<vmem>>, vector<1x1x50x128xf32>,
    %get3A_559 = arith.constant 2 : index
    %get3A_560 = arith.constant 0 : index
    %get3A_561 = vector.load %arg1[%get3A_559, %get3A_560] : memref<6x64xf32, #tpu.memory_space<vmem>>, vector<1x64xf32>
    %get3A_562 = vector.shape_cast %get3A_561 : vector<1x64xf32> to vector<64xf32>
    %concatenate3A_563 = tpu.concatenate %get3A_528, %get3A_562 in 0 : vector<64xf32>, vector<64xf32> -> vector<128xf32>
    %broadcast_in_dim3A_564 = vector.shape_cast %concatenate3A_563 : vector<128xf32> to vector<1x128xf32>
    %add3A_565 = vector.broadcast %broadcast_in_dim3A_564 : vector<1x128xf32> to vector<50x128xf32>
    %add3A_566 = arith.addf %get3A_1, %add3A_565 : vector<50x128xf32>
    %swap3A_567 = arith.constant 5 : index
    %swap3A_568 = arith.constant 2 : index
    %swap3A_569 = arith.constant 0 : index
    %swap3A_570 = arith.constant 0 : index
    %swap3A_571 = vector.load %arg2[%swap3A_567, %swap3A_568, %swap3A_569, %swap3A_570] : memref<7x7x50x128xf32, #tpu.memory_space<vmem>>, vector<1x1x50x128xf32>
    %swap3A_572 = vector.shape_cast %swap3A_571 : vector<1x1x50x128xf32> to vector<50x128xf32>
    %swap3A_573 = vector.shape_cast %add3A_566 : vector<50x128xf32> to vector<1x1x50x128xf32>
    tpu.vector_store %arg2[%swap3A_567, %swap3A_568, %swap3A_569, %swap3A_570], %swap3A_573 {strides = array<i32>} : memref<7x7x50x128xf32, #tpu.memory_space<vmem>>, vector<1x1x50x128xf32>,
    %get3A_574 = arith.constant 3 : index
    %get3A_575 = arith.constant 0 : index
    %get3A_576 = vector.load %arg1[%get3A_574, %get3A_575] : memref<6x64xf32, #tpu.memory_space<vmem>>, vector<1x64xf32>
    %get3A_577 = vector.shape_cast %get3A_576 : vector<1x64xf32> to vector<64xf32>
    %concatenate3A_578 = tpu.concatenate %get3A_528, %get3A_577 in 0 : vector<64xf32>, vector<64xf32> -> vector<128xf32>
    %broadcast_in_dim3A_579 = vector.shape_cast %concatenate3A_578 : vector<128xf32> to vector<1x128xf32>
    %add3A_580 = vector.broadcast %broadcast_in_dim3A_579 : vector<1x128xf32> to vector<50x128xf32>
    %add3A_581 = arith.addf %get3A_1, %add3A_580 : vector<50x128xf32>
    %swap3A_582 = arith.constant 5 : index
    %swap3A_583 = arith.constant 3 : index
    %swap3A_584 = arith.constant 0 : index
    %swap3A_585 = arith.constant 0 : index
    %swap3A_586 = vector.load %arg2[%swap3A_582, %swap3A_583, %swap3A_584, %swap3A_585] : memref<7x7x50x128xf32, #tpu.memory_space<vmem>>, vector<1x1x50x128xf32>
    %swap3A_587 = vector.shape_cast %swap3A_586 : vector<1x1x50x128xf32> to vector<50x128xf32>
    %swap3A_588 = vector.shape_cast %add3A_581 : vector<50x128xf32> to vector<1x1x50x128xf32>
    tpu.vector_store %arg2[%swap3A_582, %swap3A_583, %swap3A_584, %swap3A_585], %swap3A_588 {strides = array<i32>} : memref<7x7x50x128xf32, #tpu.memory_space<vmem>>, vector<1x1x50x128xf32>,
    %get3A_589 = arith.constant 4 : index
    %get3A_590 = arith.constant 0 : index
    %get3A_591 = vector.load %arg1[%get3A_589, %get3A_590] : memref<6x64xf32, #tpu.memory_space<vmem>>, vector<1x64xf32>
    %get3A_592 = vector.shape_cast %get3A_591 : vector<1x64xf32> to vector<64xf32>
    %concatenate3A_593 = tpu.concatenate %get3A_528, %get3A_592 in 0 : vector<64xf32>, vector<64xf32> -> vector<128xf32>
    %broadcast_in_dim3A_594 = vector.shape_cast %concatenate3A_593 : vector<128xf32> to vector<1x128xf32>
    %add3A_595 = vector.broadcast %broadcast_in_dim3A_594 : vector<1x128xf32> to vector<50x128xf32>
    %add3A_596 = arith.addf %get3A_1, %add3A_595 : vector<50x128xf32>
    %swap3A_597 = arith.constant 5 : index
    %swap3A_598 = arith.constant 4 : index
    %swap3A_599 = arith.constant 0 : index
    %swap3A_600 = arith.constant 0 : index
    %swap3A_601 = vector.load %arg2[%swap3A_597, %swap3A_598, %swap3A_599, %swap3A_600] : memref<7x7x50x128xf32, #tpu.memory_space<vmem>>, vector<1x1x50x128xf32>
    %swap3A_602 = vector.shape_cast %swap3A_601 : vector<1x1x50x128xf32> to vector<50x128xf32>
    %swap3A_603 = vector.shape_cast %add3A_596 : vector<50x128xf32> to vector<1x1x50x128xf32>
    tpu.vector_store %arg2[%swap3A_597, %swap3A_598, %swap3A_599, %swap3A_600], %swap3A_603 {strides = array<i32>} : memref<7x7x50x128xf32, #tpu.memory_space<vmem>>, vector<1x1x50x128xf32>,
    %get3A_604 = arith.constant 5 : index
    %get3A_605 = arith.constant 0 : index
    %get3A_606 = vector.load %arg1[%get3A_604, %get3A_605] : memref<6x64xf32, #tpu.memory_space<vmem>>, vector<1x64xf32>
    %get3A_607 = vector.shape_cast %get3A_606 : vector<1x64xf32> to vector<64xf32>
    %concatenate3A_608 = tpu.concatenate %get3A_528, %get3A_607 in 0 : vector<64xf32>, vector<64xf32> -> vector<128xf32>
    %broadcast_in_dim3A_609 = vector.shape_cast %concatenate3A_608 : vector<128xf32> to vector<1x128xf32>
    %add3A_610 = vector.broadcast %broadcast_in_dim3A_609 : vector<1x128xf32> to vector<50x128xf32>
    %add3A_611 = arith.addf %get3A_1, %add3A_610 : vector<50x128xf32>
    %swap3A_612 = arith.constant 5 : index
    %swap3A_613 = arith.constant 5 : index
    %swap3A_614 = arith.constant 0 : index
    %swap3A_615 = arith.constant 0 : index
    %swap3A_616 = vector.load %arg2[%swap3A_612, %swap3A_613, %swap3A_614, %swap3A_615] : memref<7x7x50x128xf32, #tpu.memory_space<vmem>>, vector<1x1x50x128xf32>
    %swap3A_617 = vector.shape_cast %swap3A_616 : vector<1x1x50x128xf32> to vector<50x128xf32>
    %swap3A_618 = vector.shape_cast %add3A_611 : vector<50x128xf32> to vector<1x1x50x128xf32>
    tpu.vector_store %arg2[%swap3A_612, %swap3A_613, %swap3A_614, %swap3A_615], %swap3A_618 {strides = array<i32>} : memref<7x7x50x128xf32, #tpu.memory_space<vmem>>, vector<1x1x50x128xf32>,
    %concatenate3A_619 = tpu.concatenate %get3A_528, %broadcast_in_dim3A_2 in 0 : vector<64xf32>, vector<64xf32> -> vector<128xf32>
    %broadcast_in_dim3A_620 = vector.shape_cast %concatenate3A_619 : vector<128xf32> to vector<1x128xf32>
    %add3A_621 = vector.broadcast %broadcast_in_dim3A_620 : vector<1x128xf32> to vector<50x128xf32>
    %add3A_622 = arith.addf %get3A_1, %add3A_621 : vector<50x128xf32>
    %swap3A_623 = arith.constant 5 : index
    %swap3A_624 = arith.constant 6 : index
    %swap3A_625 = arith.constant 0 : index
    %swap3A_626 = arith.constant 0 : index
    %swap3A_627 = vector.load %arg2[%swap3A_623, %swap3A_624, %swap3A_625, %swap3A_626] : memref<7x7x50x128xf32, #tpu.memory_space<vmem>>, vector<1x1x50x128xf32>
    %swap3A_628 = vector.shape_cast %swap3A_627 : vector<1x1x50x128xf32> to vector<50x128xf32>
    %swap3A_629 = vector.shape_cast %add3A_622 : vector<50x128xf32> to vector<1x1x50x128xf32>
    tpu.vector_store %arg2[%swap3A_623, %swap3A_624, %swap3A_625, %swap3A_626], %swap3A_629 {strides = array<i32>} : memref<7x7x50x128xf32, #tpu.memory_space<vmem>>, vector<1x1x50x128xf32>,
    %get3A_630 = arith.constant 0 : index
    %get3A_631 = arith.constant 0 : index
    %get3A_632 = vector.load %arg1[%get3A_630, %get3A_631] : memref<6x64xf32, #tpu.memory_space<vmem>>, vector<1x64xf32>
    %get3A_633 = vector.shape_cast %get3A_632 : vector<1x64xf32> to vector<64xf32>
    %concatenate3A_634 = tpu.concatenate %broadcast_in_dim3A_2, %get3A_633 in 0 : vector<64xf32>, vector<64xf32> -> vector<128xf32>
    %broadcast_in_dim3A_635 = vector.shape_cast %concatenate3A_634 : vector<128xf32> to vector<1x128xf32>
    %add3A_636 = vector.broadcast %broadcast_in_dim3A_635 : vector<1x128xf32> to vector<50x128xf32>
    %add3A_637 = arith.addf %get3A_1, %add3A_636 : vector<50x128xf32>
    %swap3A_638 = arith.constant 6 : index
    %swap3A_639 = arith.constant 0 : index
    %swap3A_640 = arith.constant 0 : index
    %swap3A_641 = arith.constant 0 : index
    %swap3A_642 = vector.load %arg2[%swap3A_638, %swap3A_639, %swap3A_640, %swap3A_641] : memref<7x7x50x128xf32, #tpu.memory_space<vmem>>, vector<1x1x50x128xf32>
    %swap3A_643 = vector.shape_cast %swap3A_642 : vector<1x1x50x128xf32> to vector<50x128xf32>
    %swap3A_644 = vector.shape_cast %add3A_637 : vector<50x128xf32> to vector<1x1x50x128xf32>
    tpu.vector_store %arg2[%swap3A_638, %swap3A_639, %swap3A_640, %swap3A_641], %swap3A_644 {strides = array<i32>} : memref<7x7x50x128xf32, #tpu.memory_space<vmem>>, vector<1x1x50x128xf32>,
    %get3A_645 = arith.constant 1 : index
    %get3A_646 = arith.constant 0 : index
    %get3A_647 = vector.load %arg1[%get3A_645, %get3A_646] : memref<6x64xf32, #tpu.memory_space<vmem>>, vector<1x64xf32>
    %get3A_648 = vector.shape_cast %get3A_647 : vector<1x64xf32> to vector<64xf32>
    %concatenate3A_649 = tpu.concatenate %broadcast_in_dim3A_2, %get3A_648 in 0 : vector<64xf32>, vector<64xf32> -> vector<128xf32>
    %broadcast_in_dim3A_650 = vector.shape_cast %concatenate3A_649 : vector<128xf32> to vector<1x128xf32>
    %add3A_651 = vector.broadcast %broadcast_in_dim3A_650 : vector<1x128xf32> to vector<50x128xf32>
    %add3A_652 = arith.addf %get3A_1, %add3A_651 : vector<50x128xf32>
    %swap3A_653 = arith.constant 6 : index
    %swap3A_654 = arith.constant 1 : index
    %swap3A_655 = arith.constant 0 : index
    %swap3A_656 = arith.constant 0 : index
    %swap3A_657 = vector.load %arg2[%swap3A_653, %swap3A_654, %swap3A_655, %swap3A_656] : memref<7x7x50x128xf32, #tpu.memory_space<vmem>>, vector<1x1x50x128xf32>
    %swap3A_658 = vector.shape_cast %swap3A_657 : vector<1x1x50x128xf32> to vector<50x128xf32>
    %swap3A_659 = vector.shape_cast %add3A_652 : vector<50x128xf32> to vector<1x1x50x128xf32>
    tpu.vector_store %arg2[%swap3A_653, %swap3A_654, %swap3A_655, %swap3A_656], %swap3A_659 {strides = array<i32>} : memref<7x7x50x128xf32, #tpu.memory_space<vmem>>, vector<1x1x50x128xf32>,
    %get3A_660 = arith.constant 2 : index
    %get3A_661 = arith.constant 0 : index
    %get3A_662 = vector.load %arg1[%get3A_660, %get3A_661] : memref<6x64xf32, #tpu.memory_space<vmem>>, vector<1x64xf32>
    %get3A_663 = vector.shape_cast %get3A_662 : vector<1x64xf32> to vector<64xf32>
    %concatenate3A_664 = tpu.concatenate %broadcast_in_dim3A_2, %get3A_663 in 0 : vector<64xf32>, vector<64xf32> -> vector<128xf32>
    %broadcast_in_dim3A_665 = vector.shape_cast %concatenate3A_664 : vector<128xf32> to vector<1x128xf32>
    %add3A_666 = vector.broadcast %broadcast_in_dim3A_665 : vector<1x128xf32> to vector<50x128xf32>
    %add3A_667 = arith.addf %get3A_1, %add3A_666 : vector<50x128xf32>
    %swap3A_668 = arith.constant 6 : index
    %swap3A_669 = arith.constant 2 : index
    %swap3A_670 = arith.constant 0 : index
    %swap3A_671 = arith.constant 0 : index
    %swap3A_672 = vector.load %arg2[%swap3A_668, %swap3A_669, %swap3A_670, %swap3A_671] : memref<7x7x50x128xf32, #tpu.memory_space<vmem>>, vector<1x1x50x128xf32>
    %swap3A_673 = vector.shape_cast %swap3A_672 : vector<1x1x50x128xf32> to vector<50x128xf32>
    %swap3A_674 = vector.shape_cast %add3A_667 : vector<50x128xf32> to vector<1x1x50x128xf32>
    tpu.vector_store %arg2[%swap3A_668, %swap3A_669, %swap3A_670, %swap3A_671], %swap3A_674 {strides = array<i32>} : memref<7x7x50x128xf32, #tpu.memory_space<vmem>>, vector<1x1x50x128xf32>,
    %get3A_675 = arith.constant 3 : index
    %get3A_676 = arith.constant 0 : index
    %get3A_677 = vector.load %arg1[%get3A_675, %get3A_676] : memref<6x64xf32, #tpu.memory_space<vmem>>, vector<1x64xf32>
    %get3A_678 = vector.shape_cast %get3A_677 : vector<1x64xf32> to vector<64xf32>
    %concatenate3A_679 = tpu.concatenate %broadcast_in_dim3A_2, %get3A_678 in 0 : vector<64xf32>, vector<64xf32> -> vector<128xf32>
    %broadcast_in_dim3A_680 = vector.shape_cast %concatenate3A_679 : vector<128xf32> to vector<1x128xf32>
    %add3A_681 = vector.broadcast %broadcast_in_dim3A_680 : vector<1x128xf32> to vector<50x128xf32>
    %add3A_682 = arith.addf %get3A_1, %add3A_681 : vector<50x128xf32>
    %swap3A_683 = arith.constant 6 : index
    %swap3A_684 = arith.constant 3 : index
    %swap3A_685 = arith.constant 0 : index
    %swap3A_686 = arith.constant 0 : index
    %swap3A_687 = vector.load %arg2[%swap3A_683, %swap3A_684, %swap3A_685, %swap3A_686] : memref<7x7x50x128xf32, #tpu.memory_space<vmem>>, vector<1x1x50x128xf32>
    %swap3A_688 = vector.shape_cast %swap3A_687 : vector<1x1x50x128xf32> to vector<50x128xf32>
    %swap3A_689 = vector.shape_cast %add3A_682 : vector<50x128xf32> to vector<1x1x50x128xf32>
    tpu.vector_store %arg2[%swap3A_683, %swap3A_684, %swap3A_685, %swap3A_686], %swap3A_689 {strides = array<i32>} : memref<7x7x50x128xf32, #tpu.memory_space<vmem>>, vector<1x1x50x128xf32>,
    %get3A_690 = arith.constant 4 : index
    %get3A_691 = arith.constant 0 : index
    %get3A_692 = vector.load %arg1[%get3A_690, %get3A_691] : memref<6x64xf32, #tpu.memory_space<vmem>>, vector<1x64xf32>
    %get3A_693 = vector.shape_cast %get3A_692 : vector<1x64xf32> to vector<64xf32>
    %concatenate3A_694 = tpu.concatenate %broadcast_in_dim3A_2, %get3A_693 in 0 : vector<64xf32>, vector<64xf32> -> vector<128xf32>
    %broadcast_in_dim3A_695 = vector.shape_cast %concatenate3A_694 : vector<128xf32> to vector<1x128xf32>
    %add3A_696 = vector.broadcast %broadcast_in_dim3A_695 : vector<1x128xf32> to vector<50x128xf32>
    %add3A_697 = arith.addf %get3A_1, %add3A_696 : vector<50x128xf32>
    %swap3A_698 = arith.constant 6 : index
    %swap3A_699 = arith.constant 4 : index
    %swap3A_700 = arith.constant 0 : index
    %swap3A_701 = arith.constant 0 : index
    %swap3A_702 = vector.load %arg2[%swap3A_698, %swap3A_699, %swap3A_700, %swap3A_701] : memref<7x7x50x128xf32, #tpu.memory_space<vmem>>, vector<1x1x50x128xf32>
    %swap3A_703 = vector.shape_cast %swap3A_702 : vector<1x1x50x128xf32> to vector<50x128xf32>
    %swap3A_704 = vector.shape_cast %add3A_697 : vector<50x128xf32> to vector<1x1x50x128xf32>
    tpu.vector_store %arg2[%swap3A_698, %swap3A_699, %swap3A_700, %swap3A_701], %swap3A_704 {strides = array<i32>} : memref<7x7x50x128xf32, #tpu.memory_space<vmem>>, vector<1x1x50x128xf32>,
    %get3A_705 = arith.constant 5 : index
    %get3A_706 = arith.constant 0 : index
    %get3A_707 = vector.load %arg1[%get3A_705, %get3A_706] : memref<6x64xf32, #tpu.memory_space<vmem>>, vector<1x64xf32>
    %get3A_708 = vector.shape_cast %get3A_707 : vector<1x64xf32> to vector<64xf32>
    %concatenate3A_709 = tpu.concatenate %broadcast_in_dim3A_2, %get3A_708 in 0 : vector<64xf32>, vector<64xf32> -> vector<128xf32>
    %broadcast_in_dim3A_710 = vector.shape_cast %concatenate3A_709 : vector<128xf32> to vector<1x128xf32>
    %add3A_711 = vector.broadcast %broadcast_in_dim3A_710 : vector<1x128xf32> to vector<50x128xf32>
    %add3A_712 = arith.addf %get3A_1, %add3A_711 : vector<50x128xf32>
    %swap3A_713 = arith.constant 6 : index
    %swap3A_714 = arith.constant 5 : index
    %swap3A_715 = arith.constant 0 : index
    %swap3A_716 = arith.constant 0 : index
    %swap3A_717 = vector.load %arg2[%swap3A_713, %swap3A_714, %swap3A_715, %swap3A_716] : memref<7x7x50x128xf32, #tpu.memory_space<vmem>>, vector<1x1x50x128xf32>
    %swap3A_718 = vector.shape_cast %swap3A_717 : vector<1x1x50x128xf32> to vector<50x128xf32>
    %swap3A_719 = vector.shape_cast %add3A_712 : vector<50x128xf32> to vector<1x1x50x128xf32>
    tpu.vector_store %arg2[%swap3A_713, %swap3A_714, %swap3A_715, %swap3A_716], %swap3A_719 {strides = array<i32>} : memref<7x7x50x128xf32, #tpu.memory_space<vmem>>, vector<1x1x50x128xf32>,
    %concatenate3A_720 = tpu.concatenate %broadcast_in_dim3A_2, %broadcast_in_dim3A_2 in 0 : vector<64xf32>, vector<64xf32> -> vector<128xf32>
    %broadcast_in_dim3A_721 = vector.shape_cast %concatenate3A_720 : vector<128xf32> to vector<1x128xf32>
    %add3A_722 = vector.broadcast %broadcast_in_dim3A_721 : vector<1x128xf32> to vector<50x128xf32>
    %add3A_723 = arith.addf %get3A_1, %add3A_722 : vector<50x128xf32>
    %swap3A_724 = arith.constant 6 : index
    %swap3A_725 = arith.constant 6 : index
    %swap3A_726 = arith.constant 0 : index
    %swap3A_727 = arith.constant 0 : index
    %swap3A_728 = vector.load %arg2[%swap3A_724, %swap3A_725, %swap3A_726, %swap3A_727] : memref<7x7x50x128xf32, #tpu.memory_space<vmem>>, vector<1x1x50x128xf32>
    %swap3A_729 = vector.shape_cast %swap3A_728 : vector<1x1x50x128xf32> to vector<50x128xf32>
    %swap3A_730 = vector.shape_cast %add3A_723 : vector<50x128xf32> to vector<1x1x50x128xf32>
    tpu.vector_store %arg2[%swap3A_724, %swap3A_725, %swap3A_726, %swap3A_727], %swap3A_730 {strides = array<i32>} : memref<7x7x50x128xf32, #tpu.memory_space<vmem>>, vector<1x1x50x128xf32>,
    return
  }
}

</mosaic_0001>

<sc_bundles>
// kernel: kernel.4.cloned.1.call-start
scs
__scs_entry_jumppad:
0x0: {  	(pc) =	sbr.rel $0x88, $3  }
0x1: {  	(tag) =	ssettag $0x0;
	lr =	simm.s32 $0x1  }
0x2: {  	[smem:$0x3F9D] =	sst lr;
	_ =	strace $0xD0000000  }
0x3: {  	_ = 	snop  }
0x4: {  	_ = 	snop  }
0x5: {  	_ = 	snop  }
0x6: {  	_ = 	snop  }
0x7: {  	_ = 	snop  }
__scs_overlays_trampoline_lowered:
0x8: {  	[smem:$0x3FAC] =	sst s0  }
0x9: {  	[smem:$0x3FAD] =	sst s1  }
0xa: {  	[smem:$0x3FAE] =	sst s2  }
0xb: {  	[smem:$0x3FAF] =	sst s3  }
0xc: {  	[smem:$0x3FB0] =	sst s4  }
0xd: {  	[smem:$0x3FB1] =	sst s5  }
0xe: {  	[smem:$0x3FB2] =	sst s6  }
0xf: {  	[smem:$0x3FB3] =	sst s7  }
0x10: {  	[smem:$0x3FB4] =	sst s8  }
0x11: {  	[smem:$0x3FB5] =	sst s9;
	s0 =	simm.s32 @!p0 $0x0  }
0x12: {  	s1 =	sld [smem:$0x3F9B];
	s0 =	simm.s32 @p0 $0x1  }
0x13: {  	[smem:$0x3FB6] =	sst s0;
	s0 =	simm.s32 @!p1 $0x0  }
0x14: {  	s2 =	sld [smem:$0x3F9A];
	s0 =	simm.s32 @p1 $0x1  }
0x15: {  	[smem:$0x3FB7] =	sst s0;
	s0 =	simm.s32 @!p2 $0x0  }
0x16: {  	s3 =	sld [smem:$0x3FDB];
	s0 =	simm.s32 @p2 $0x1  }
0x17: {  	s4 =	simm.s32 $0x1BF5;
	[smem:$0x3FB9] =	sst s0  }
0x18: {  	s0 =	sld [smem:$0x3F9C];
	_ =	swait.ge [sflag:s4], $0x0  }
0x19: {  	s7 =	sld [smem:$0x3F9D]  }
0x1a: {  	s8 =	sadd.s32 $0xFFFFE003, lr  }
0x1b: {  	s9 =	sadd.s32 $0xFFFFFEF7, lr;
	s5 =	simm.s32 $0xFFFFFFFF;
	p2 =	slt.u32 s8, $0xFFFFF086  }
0x1c: {  	p1 =	slt.u32 s9, $0xF7A;
	s5 =	simm.s32 @!p2 $0x0  }
0x1d: {  	s5 =	simm.s32 @p1 $0x1;
	p0 =	seq.s32 s7, s2  }
0x1e: {  	s7 =	smul.u32 @!p0 $0xF7A, s2;
	p2 =	seq.s32 @!p0 s5, $0x0  }
0x1f: {  	s9 =	smul.u32 $0xF7A, s1;
	s8 =	simm.s32 @!p0 $0x1BF5;
	p2 =	por !p2, p0  }
0x20: {  	[sflag:s8] =	ssyncset.s32 @!p0 $0xFFFFF086;
	s6 =	sadd.s32 @!p0 s3, s7;
	s7 =	simm.s32 @!p0 $0x108  }
0x21: {  	s3 =	sadd.s32 s3, s9;
	s6 =	sadd.s32 @!p0 $0x88, s6;
	s7 =	simm.s32 @p2 $0x1082  }
0x22: {  	[simem:s7], [sflag:s8] =	dma.local @!p0 [hbm:s6], $0xF7A  }
0x23: {  	s9 =	sor.u32 $0xD0000000, s2;
	s6 =	simm.s32 $0x108;
	_ =	swait.ge @!p0 [sflag:s8], $0x0  }
0x24: {  	s3 =	sadd.s32 $0x88, s3;
	s6 =	simm.s32 @!p1 $0x1082;
	[sflag:s4] =	ssyncset.s32 $0xFFFFF086  }
0x25: {  	[simem:s6], [sflag:s4] =	dma.local [hbm:s3], $0xF7A  }
0x26: {  	[smem:$0x3F9D] =	sst s1;
	(tag) =	ssettag s2;
	_ =	strace s9  }
0x27: {  	s1 =	sld [smem:$0x3FAD]  }
0x28: {  	s2 =	sld [smem:$0x3FAE]  }
0x29: {  	s4 =	sld [smem:$0x3FB0]  }
0x2a: {  	p0 =	seq.s32 s5, $0x0;
	s5 =	sld [smem:$0x3FB1]  }
0x2b: {  	s6 =	sld [smem:$0x3FB2]  }
0x2c: {  	s7 =	sld [smem:$0x3FB3]  }
0x2d: {  	s3 =	simm.s32 $0x108;
	s8 =	sld [smem:$0x3FB4]  }
0x2e: {  	s3 =	simm.s32 @!p0 $0x1082;
	s9 =	sld [smem:$0x3FB5]  }
0x2f: {  	lr =	sadd.s32 s0, s3;
	s0 =	sld [smem:$0x3FAC]  }
0x30: {  	s3 =	sld [smem:$0x3FAF]  }
0x31: {  	[smem:$0x3FB8] =	sst s10  }
0x32: {  	s10 =	sld [smem:$0x3FB6];
	_ =	sdelay $0x3  }
0x33: {  	p0 =	seq.s32 s10, $0x1;
	s10 =	sld [smem:$0x3FB8];
	_ =	sdelay $0x3  }
0x34: {  	[smem:$0x3FB8] =	sst s10  }
0x35: {  	s10 =	sld [smem:$0x3FB7];
	_ =	sdelay $0x3  }
0x36: {  	p1 =	seq.s32 s10, $0x1;
	s10 =	sld [smem:$0x3FB8];
	_ =	sdelay $0x3  }
0x37: {  	[smem:$0x3FB8] =	sst s10  }
0x38: {  	s10 =	sld [smem:$0x3FB9]  }
0x39: {  	_ = 	snop;
	(pc) =	sbr.ind lr, $3  }
0x3a: {  	_ = 	snop  }
0x3b: {  	_ = 	snop  }
0x3c: {  	p2 =	seq.s32 s10, $0x1;
	s10 =	sld [smem:$0x3FB8]  }
0x3d: {  	_ =	shalt  }
0x3e: {  	_ =	shalt  }
0x3f: {  	_ =	shalt  }
0x40: {  	_ =	shalt  }
0x41: {  	_ =	shalt  }
0x42: {  	_ =	shalt  }
0x43: {  	_ =	shalt  }
0x44: {  	_ =	shalt  }
0x45: {  	_ =	shalt  }
0x46: {  	_ =	shalt  }
0x47: {  	_ =	shalt  }
0x48: {  	_ =	shalt  }
0x49: {  	_ =	shalt  }
0x4a: {  	_ =	shalt  }
0x4b: {  	_ =	shalt  }
0x4c: {  	_ =	shalt  }
0x4d: {  	_ =	shalt  }
0x4e: {  	_ =	shalt  }
0x4f: {  	_ =	shalt  }
0x50: {  	_ =	shalt  }
0x51: {  	_ =	shalt  }
0x52: {  	_ =	shalt  }
0x53: {  	_ =	shalt  }
0x54: {  	_ =	shalt  }
0x55: {  	_ =	shalt  }
0x56: {  	_ =	shalt  }
0x57: {  	_ =	shalt  }
0x58: {  	_ =	shalt  }
0x59: {  	_ =	shalt  }
0x5a: {  	_ =	shalt  }
0x5b: {  	_ =	shalt  }
0x5c: {  	_ =	shalt  }
0x5d: {  	_ =	shalt  }
0x5e: {  	_ =	shalt  }
0x5f: {  	_ =	shalt  }
0x60: {  	_ =	shalt  }
0x61: {  	_ =	shalt  }
0x62: {  	_ =	shalt  }
0x63: {  	_ =	shalt  }
0x64: {  	_ =	shalt  }
0x65: {  	_ =	shalt  }
0x66: {  	_ =	shalt  }
0x67: {  	_ =	shalt  }
0x68: {  	_ =	shalt  }
0x69: {  	_ =	shalt  }
0x6a: {  	_ =	shalt  }
0x6b: {  	_ =	shalt  }
0x6c: {  	_ =	shalt  }
0x6d: {  	_ =	shalt  }
0x6e: {  	_ =	shalt  }
0x6f: {  	_ =	shalt  }
0x70: {  	_ =	shalt  }
0x71: {  	_ =	shalt  }
0x72: {  	_ =	shalt  }
0x73: {  	_ =	shalt  }
0x74: {  	_ =	shalt  }
0x75: {  	_ =	shalt  }
0x76: {  	_ =	shalt  }
0x77: {  	_ =	shalt  }
0x78: {  	_ =	shalt  }
0x79: {  	_ =	shalt  }
0x7a: {  	_ =	shalt  }
0x7b: {  	_ =	shalt  }
0x7c: {  	_ =	shalt  }
0x7d: {  	_ =	shalt  }
0x7e: {  	_ =	shalt  }
0x7f: {  	_ =	shalt  }
0x80: {  	_ =	shalt  }
0x81: {  	_ =	shalt  }
0x82: {  	_ =	shalt  }
0x83: {  	_ =	shalt  }
0x84: {  	_ =	shalt  }
0x85: {  	_ =	shalt  }
0x86: {  	_ =	shalt  }
0x87: {  	_ =	shalt  }
.Lfunc_end0:
.L_simem_size_0:
called_computation.1_lowered:
.L_overlay_start_0:
0x88: {  	s2 =	sld [smem:$0x3FD9]  }
0x89: {  	s3 =	sld [smem:$0x3FFE];
	_ =	sdelay $0x1  }
0x8a: {  	s1 =	srdreg.scid  }
0x8b: {  	s0 =	sand.u32 $0x1, s1  }
0x8c: {  	s17 =	sshll.u32 s0, $0xA;
	s2 =	sadd.s32 s3, s2  }
0x8d: {  	s2 =	sadd.s32 s2, s17  }
0x8e: {  	[smem:$0x3FC4] =	sst s2  }
0x8f: {  	_ = 	snop  }
0x90: {  	s2 =	sld [smem:$0x3FD0];
	(tm) =	ssettm $0x1  }
0x91: {  	s18 =	sld [smem:$0x3FFB];
	_ =	sdelay $0x3  }
0x92: {  	_ =	strace s18  }
0x93: {  	s3 =	sld [smem:$0x3FFC];
	_ =	sdelay $0x3  }
0x94: {  	_ =	strace s3  }
0x95: {  	s3 =	sld [smem:$0x3FFD];
	_ =	sdelay $0x3  }
0x96: {  	_ =	strace s3  }
0x97: {  	_ =	strace $0x8FFFFFFF  }
0x98: {  	s19 =	sld [smem:$0x3FDB];
	_ =	sdelay $0x1  }
0x99: {  	s4 =	simm.s32 $_scs_section_size  }
0x9a: {  	s5 =	simm.s32 $_size__tile_overlayer_lowered;
	s6 =	simm.s32 $_tile_overlayer_lowered  }
0x9b: {  	s22 =	simm.s32 $0x1BFF;
	s21 =	sshll.u32 s6, $0x1;
	s3 =	sadd.s32 s4, s19  }
0x9c: {  	s7 =	simm.s32 $0x0;
	s20 =	sshll.u32 s5, $0x1;
	s5 =	sadd.s32 s21, s3  }
0x9d: {  	[timem:s7], [sflag:s22] =	dma.local [hbm:s5], s20  }
0x9e: {  	_ =	swait.ge [sflag:s22], s20  }
0x9f: {  	s4 =	ssub.s32 $0x0, s20;
	[sflag:s22] =	ssyncset.done $0x0  }
0xa0: {  	[sflag:s22] =	ssyncadd.s32 s4;
	_ =	sdelay $0x1  }
0xa1: {  	s23 =	simm.s32 $0x1B8B  }
0xa2: {  	_ =	swait.ge [sflag:s23], $0x1  }
0xa3: {  	[sflag:s23] =	ssyncset.done $0x0  }
0xa4: {  	s25 =	simm.s32 $0x1B8E;
	s24 =	sld [smem:$0x3FFE];
	[sflag:s23] =	ssyncadd.s32 $0xFFFFFFFF  }
0xa5: {  	s26 =	simm.s32 $execute0_lowered;
	[smem:$0x3FD2] =	sst s25  }
0xa6: {  	s5 =	sshll.u32 s26, $0x1;
	_ =	strace $0x80000046;
	[dreg:$0x1] =	wrdreg $0xFFFFFFFF  }
0xa7: {  	s28 =	simm.s32 $_size_execute0_lowered;
	s3 =	sadd.s32 s3, s5;
	[dreg:$0x0] =	wrdreg $0x0  }
0xa8: {  	s5 =	sshll.u32 s28, $0x1;
	[dreg:$0x2] =	wrdreg s3  }
0xa9: {  	[dreg:$0x3] =	wrdreg s5  }
0xaa: {  	[dreg:$0x4] =	wrdreg $0xC0  }
0xab: {  	_ =	task [dreg:s7], $0x5FFFF  }
0xac: {  	[dreg:$0x1] =	wrdreg $0xFFFFFFFF  }
0xad: {  	[dreg:$0x0] =	wrdreg $0x60  }
0xae: {  	[dreg:$0x2] =	wrdreg s24  }
0xaf: {  	[dreg:$0x3] =	wrdreg s2  }
0xb0: {  	[dreg:$0x4] =	wrdreg $0x9  }
0xb1: {  	_ =	task.clear_ibuf [dreg:s7], $0x5FFFF;
	_ =	strace $0x90000046  }
0xb2: {  	s29 =	simm.s32 $0x9;
	_ =	strace $0x80000048  }
0xb3: {  	_ =	swait.ge [sflag:s29], $0x1  }
0xb4: {  	[sflag:s29] =	ssyncadd.s32 $0xFFFFFFFF  }
0xb5: {  	_ =	strace $0x90000048  }
0xb6: {  	_ =	sfence  }
0xb7: {  	s30 =	sld [smem:$0x0];
	_ =	sdelay $0x2  }
0xb8: {  	s31 =	sshll.u32 s1, $0xD;
	s1 =	sshrl.u32 s1, $0x2  }
0xb9: {  	s3 =	sand.u32 $0x4000, s31;
	s1 =	sadd.s32 s1, s30  }
0xba: {  	s0 =	sor.u32 s3, s0;
	s1 =	sshll.u32 s1, $0x11  }
0xbb: {  	s0 =	sor.u32 s1, s0  }
0xbc: {  	s0 =	sadd.s32 $0x8F2B, s0  }
0xbd: {  	[sflag:s0] =	ssyncadd.remote.s32 $0x1  }
0xbe: {  	_ =	sfence.sel $0xFFFF  }
0xbf: {  	[dreg:$0x0] =	wrdreg $0xFFFFFFFF;
	(pc) =	sbr.abs _section_cstart, $3  }
0xc0: {  	[dreg:$0x1] =	wrdreg $0xFFFFFFFF  }
0xc1: {  	_ =	task.clear_ibuf [dreg:s7], $0x2FFFF;
	_ =	strace $0x9FFFFFFF  }
0xc2: {  	(tm) =	ssettm $0x7FFFFFFF  }
0xc3: {  	_ =	shalt  }
tec
execute0_lowered:
.L_overlay_start_1:
0x0: {  	(tag) =	ssettag $0x1  }
0x1: {  	s4 =	rddreg [dreg:$0x0]  }
0x2: {  	s10 =	rddreg [dreg:$0x1]  }
0x3: {  	s0 =	rddreg [dreg:$0x2];
	s2 =	simm.s32 $0x0;
	s3 =	srdreg.scid  }
0x4: {  	s1 =	stileid.u32;
	s15 =	simm.s32 $0x5980;
	s16 =	simm.s32 $0x4100  }
0x5: {  	s17 =	simm.s32 $0x9980;
	s18 =	simm.s32 $0x1;
	s12 =	smul.u32 $0x32000, s1  }
0x6: {  	s19 =	simm.s32 $0x2;
	s8 =	sand.u32 $0x1, s3;
	s13 =	smul.u32 $0x190000, s1  }
0x7: {  	s20 =	simm.s32 $0x0;
	s24 =	sshll.u32 s1, $0x1;
	s14 =	smul.u32 $0xC8000, s8  }
0x8: {  	[smem:$0x7FF] =	sst s2;
	s5 =	sor.u32 s8, s24;
	s26 =	smul.u32 $0x19000, s8  }
0x9: {  	s3 =	sadd.s32 $0x1000, s4;
	_ =	strace $0x80000047;
	s7 =	smul.u32 $0xC8000, s5  }
0xa: {  	s9 =	ssub.s32 $0x2, s8;
	s6 =	sshll.u32 s5, $0xB;
	s11 =	smul.u32 $0x19000, s5  }
0xb: {  	s25 =	sshrl.u32 s9, $0x1;
	s29 =	sadd.s32 s12, s10;
	s12 =	simm.s32 $0x4000  }
0xc: {  	s6 =	sadd.s32 s6, s4;
	s4 =	sadd.s32 $0x1AA00, s4;
	s9 =	ssub.s32 s9, s25  }
0xd: {  	s30 =	sadd.s32 s14, s13;
	s13 =	simm.s32 $0x80;
	s14 =	simm.s32 $0x4080  }
0xe: {  	s7 =	sshrl.u32 s7, $0x3;
	s5 =	sadd.s32 $0xAA00, s6;
	s6 =	smax.u32 s9, $0x1  }
0xf: {  	s28 =	sadd.s32 s11, s10;
	s9 =	sadd.s32 s26, s29;
	s31 =	sshrl.u32 s30, $0x3  }
0x10: {  	s11 =	simm.s32 $0x3;
	s7 =	sadd.s32 s10, s7;
	s8 =	sadd.s32 $0x18800, s28  }
0x11: {  	s9 =	sadd.s32 $0x800, s9;
	s10 =	sadd.s32 s31, s10;
	s7 =	sadd.s32 $0x18000, s7  }
.LBB2_1:
0x12: {  	[tilespmem:s2], [sflag:$0x3] =	stream.linear.gather [hbm4b:s5+s2], $0x4000, $0x38;
	[tilespmem:$0xD980] =	vst v63  }
0x13: {  	_ =	swait.ge [sflag:s11], $0x4000  }
0x14: {  	[sflag:s11] =	ssyncset.done $0x0  }
0x15: {  	[sflag:s11] =	ssyncadd.s32 $0xFFFFC000  }
0x16: {  	[tilespmem:s12], [sflag:$0x3] =	stream.linear.gather [hbm4b:s4+s2], $0x80, $0x38;
	[tilespmem:$0xD980] =	vst v63  }
0x17: {  	_ =	swait.ge [sflag:s11], $0x80  }
0x18: {  	[sflag:s11] =	ssyncset.done $0x0  }
0x19: {  	[sflag:s11] =	ssyncadd.s32 $0xFFFFFF80  }
0x1a: {  	s21 =	simm.s32 $0x40;
	v0 =	vld [tilespmem:$0x4000]  }
0x1b: {  	v1 =	vld [tilespmem:s21+$0xFFFFFFC0];
	_ =	sdelay $0x1  }
0x1c: {  	v2 =	vld [tilespmem:s21+$0x0];
	_ =	sdelay $0x2  }
0x1d: {  	v3 =	vshll.u32 v0, $0x1;
	v4 =	vand.u32 $0x7, v1  }
0x1e: {  	v5 =	vor.u32 $0x1, v3;
	v4 =	vmul.u32 $0x7, v4  }
0x1f: {  	v1 =	vshra.s32 v1, $0x3;
	vm0 =	veq.s32 v3, v2;
	vm1 =	veq.s32 v5, v2  }
0x20: {  	v1 =	vsel vm1, $0x6, v1;
	v2 =	vsel vm0, $0x2A, v4  }
0x21: {  	v1 =	vadd.s32 v2, v1  }
0x22: {  	v1 =	vmul.u32 $0x32, v1;
	_ =	sdelay $0x1  }
0x23: {  	s22 =	simm.s32 $0x0;
	v0 =	vadd.s32 v0, v1  }
0x24: {  	[tilespmem:s22+$0x4080] =	vst v0  }
0x25: {  	v0 =	vld [tilespmem:s21+$0xFFFFFFD0]  }
0x26: {  	v1 =	vld [tilespmem:$0x4010];
	_ =	sdelay $0x1  }
0x27: {  	v2 =	vld [tilespmem:s21+$0x10];
	_ =	sdelay $0x2  }
0x28: {  	v3 =	vand.u32 $0x7, v0;
	v57 =	vshll.u32 v1, $0x1  }
0x29: {  	v3 =	vmul.u32 $0x7, v3;
	v58 =	vor.u32 $0x1, v57  }
0x2a: {  	v0 =	vshra.s32 v0, $0x3;
	vm10 =	veq.s32 v57, v2;
	vm11 =	veq.s32 v58, v2  }
0x2b: {  	v2 =	vsel vm10, $0x2A, v3;
	v0 =	vsel vm11, $0x6, v0  }
0x2c: {  	v0 =	vadd.s32 v2, v0  }
0x2d: {  	v0 =	vmul.u32 $0x32, v0;
	_ =	sdelay $0x1  }
0x2e: {  	v0 =	vadd.s32 v1, v0  }
0x2f: {  	[tilespmem:s22+$0x4090] =	vst v0  }
0x30: {  	v0 =	vld [tilespmem:$0x4020]  }
0x31: {  	v1 =	vld [tilespmem:s21+$0xFFFFFFE0];
	_ =	sdelay $0x1  }
0x32: {  	v2 =	vld [tilespmem:s21+$0x20];
	_ =	sdelay $0x2  }
0x33: {  	v3 =	vshll.u32 v0, $0x1;
	v59 =	vand.u32 $0x7, v1  }
0x34: {  	v60 =	vor.u32 $0x1, v3;
	v4 =	vmul.u32 $0x7, v59  }
0x35: {  	v1 =	vshra.s32 v1, $0x3;
	vm12 =	veq.s32 v3, v2;
	vm13 =	veq.s32 v60, v2  }
0x36: {  	v1 =	vsel vm13, $0x6, v1;
	v2 =	vsel vm12, $0x2A, v4  }
0x37: {  	v1 =	vadd.s32 v2, v1  }
0x38: {  	v1 =	vmul.u32 $0x32, v1;
	_ =	sdelay $0x1  }
0x39: {  	v0 =	vadd.s32 v0, v1  }
0x3a: {  	[tilespmem:s22+$0x40A0] =	vst v0  }
0x3b: {  	v1 =	vld [tilespmem:s21+$0xFFFFFFE2]  }
0x3c: {  	v0 =	vld [tilespmem:$0x4022];
	_ =	sdelay $0x1  }
0x3d: {  	v2 =	vld [tilespmem:s21+$0x22];
	_ =	sdelay $0x2  }
0x3e: {  	v3 =	vand.u32 $0x7, v1;
	v61 =	vshll.u32 v0, $0x1  }
0x3f: {  	v3 =	vmul.u32 $0x7, v3;
	v62 =	vor.u32 $0x1, v61  }
0x40: {  	v63 =	vshra.s32 v1, $0x3;
	vm14 =	veq.s32 v61, v2;
	vm15 =	veq.s32 v62, v2  }
0x41: {  	s23 =	simm.s32 $0xC8;
	v1 =	vsel vm14, $0x2A, v3;
	v2 =	vsel vm15, $0x6, v63  }
.LBB2_2:
0x42: {  	p0 =	sne.s32 s23, $0x6338  }
0x43: {  	v1 =	vadd.s32 v1, v2;
	s21 =	sadd.s32 $0x80, s21;
	s24 =	smov.u32 s23;
	s23 =	sadd.s32 $0xC8, s23  }
0x44: {  	v1 =	vmul.u32 $0x32, v1;
	_ =	sdelay $0x1  }
0x45: {  	v0 =	vadd.s32 v0, v1  }
0x46: {  	[tilespmem:s22+$0x40A2] =	vst v0  }
0x47: {  	v0 =	vld [tilespmem:$0x4000]  }
0x48: {  	v1 =	vld [tilespmem:s21+$0xFFFFFFC0]  }
0x49: {  	v2 =	vld [tilespmem:s21+$0x0];
	_ =	sdelay $0x2  }
0x4a: {  	v3 =	vshll.u32 v0, $0x1  }
0x4b: {  	v4 =	vand.u32 $0x7, v1;
	v5 =	vor.u32 $0x1, v3  }
0x4c: {  	vm0 =	veq.s32 v3, v2;
	vm1 =	veq.s32 v5, v2;
	v2 =	vmul.u32 $0x7, v4  }
0x4d: {  	v1 =	vshra.s32 v1, $0x3  }
0x4e: {  	v1 =	vsel vm1, $0x6, v1;
	v2 =	vsel vm0, $0x2A, v2  }
0x4f: {  	v1 =	vadd.s32 v2, v1  }
0x50: {  	v1 =	vmul.u32 $0x32, v1;
	_ =	sdelay $0x1  }
0x51: {  	s22 =	sshra.s32 s24, $0x2;
	v0 =	vadd.s32 v0, v1  }
0x52: {  	[tilespmem:s22+$0x4080] =	vst v0  }
0x53: {  	v0 =	vld [tilespmem:s21+$0xFFFFFFD0]  }
0x54: {  	v1 =	vld [tilespmem:$0x4010]  }
0x55: {  	v2 =	vld [tilespmem:s21+$0x10];
	_ =	sdelay $0x2  }
0x56: {  	v3 =	vand.u32 $0x7, v0  }
0x57: {  	v4 =	vshll.u32 v1, $0x1;
	v3 =	vmul.u32 $0x7, v3  }
0x58: {  	vm0 =	veq.s32 v4, v2;
	v4 =	vor.u32 $0x1, v4  }
0x59: {  	v0 =	vshra.s32 v0, $0x3;
	vm1 =	veq.s32 v4, v2;
	v2 =	vsel vm0, $0x2A, v3  }
0x5a: {  	v0 =	vsel vm1, $0x6, v0  }
0x5b: {  	v0 =	vadd.s32 v2, v0  }
0x5c: {  	v0 =	vmul.u32 $0x32, v0;
	_ =	sdelay $0x1  }
0x5d: {  	v0 =	vadd.s32 v1, v0  }
0x5e: {  	[tilespmem:s22+$0x4090] =	vst v0  }
0x5f: {  	v0 =	vld [tilespmem:$0x4020]  }
0x60: {  	v1 =	vld [tilespmem:s21+$0xFFFFFFE0];
	_ =	sdelay $0x1  }
0x61: {  	v2 =	vld [tilespmem:s21+$0x20];
	_ =	sdelay $0x1  }
0x62: {  	v3 =	vshll.u32 v0, $0x1  }
0x63: {  	v4 =	vand.u32 $0x7, v1;
	v5 =	vor.u32 $0x1, v3  }
0x64: {  	v4 =	vmul.u32 $0x7, v4  }
0x65: {  	v1 =	vshra.s32 v1, $0x3;
	vm0 =	veq.s32 v3, v2;
	vm1 =	veq.s32 v5, v2  }
0x66: {  	v1 =	vsel vm1, $0x6, v1;
	v2 =	vsel vm0, $0x2A, v4  }
0x67: {  	v1 =	vadd.s32 v2, v1  }
0x68: {  	v1 =	vmul.u32 $0x32, v1;
	_ =	sdelay $0x1  }
0x69: {  	v0 =	vadd.s32 v0, v1  }
0x6a: {  	[tilespmem:s22+$0x40A0] =	vst v0  }
0x6b: {  	v1 =	vld [tilespmem:s21+$0xFFFFFFE2]  }
0x6c: {  	v0 =	vld [tilespmem:$0x4022]  }
0x6d: {  	v2 =	vld [tilespmem:s21+$0x22];
	_ =	sdelay $0x2  }
.Ltmp0:
0x6e: {  	v3 =	vand.u32 $0x7, v1;
	(pc) =	sbr.rel @p0 .LBB2_2-.Ltmp0, $4  }
0x6f: {  	v4 =	vshll.u32 v0, $0x1;
	v3 =	vmul.u32 $0x7, v3  }
0x70: {  	vm0 =	veq.s32 v4, v2;
	v4 =	vor.u32 $0x1, v4  }
0x71: {  	v5 =	vshra.s32 v1, $0x3;
	vm1 =	veq.s32 v4, v2;
	v1 =	vsel vm0, $0x2A, v3  }
0x72: {  	v2 =	vsel vm1, $0x6, v5  }
0x73: {  	v1 =	vadd.s32 v1, v2  }
0x74: {  	v1 =	vmul.u32 $0x32, v1;
	_ =	sdelay $0x1  }
0x75: {  	v0 =	vadd.s32 v0, v1  }
0x76: {  	[tilespmem:s22+$0x40A2] =	vst v0  }
0x77: {  	[tilespmem:s15], [sflag:$0x1] =	stream.indirect.gather [hbm4b:s3+s13], $0x80, s14, s13, $0xb8;
	[tilespmem:$0xD980] =	vst v63  }
0x78: {  	_ = 	snop  }
0x79: {  	[tilespmem:s17], [sflag:$0x1] =	stream.indirect.gather [hbm4b:s3+s13], $0x80, s16, s13, $0xb8;
	[tilespmem:$0xD980] =	vst v63  }
0x7a: {  	_ =	swait.ge [sflag:s18], $0x4000  }
0x7b: {  	[sflag:s18] =	ssyncset.done $0x0  }
0x7c: {  	s21 =	sadd.s32 $0x0, s10;
	[sflag:s18] =	ssyncadd.s32 $0xFFFFC000  }
0x7d: {  	[hbm4b:s21+s2] =	stream.linear.scatter [tilespmem:s15], [sflag:$0x2], $0x4000, $0x38;
	[tilespmem:$0xD980] =	vst v63  }
0x7e: {  	_ =	swait.ge [sflag:s19], $0x4000  }
0x7f: {  	[sflag:s19] =	ssyncset.done $0x0  }
0x80: {  	s30 =	simm.s32 $0x4180;
	[sflag:s19] =	ssyncadd.s32 $0xFFFFC000  }
0x81: {  	[tilespmem:s15], [sflag:$0x1] =	stream.indirect.gather [hbm4b:s3+s13], $0x80, s30, s13, $0xb8;
	[tilespmem:$0xD980] =	vst v63  }
0x82: {  	_ =	swait.ge [sflag:s18], $0x4000  }
0x83: {  	[sflag:s18] =	ssyncset.done $0x0  }
0x84: {  	s31 =	sadd.s32 $0x0, s9;
	[sflag:s18] =	ssyncadd.s32 $0xFFFFC000  }
0x85: {  	[hbm4b:s31+s2] =	stream.linear.scatter [tilespmem:s17], [sflag:$0x2], $0x4000, $0x38;
	[tilespmem:$0xD980] =	vst v63  }
0x86: {  	_ =	swait.ge [sflag:s19], $0x4000  }
0x87: {  	s23 =	simm.s32 $0x4300;
	[sflag:s19] =	ssyncset.done $0x0  }
0x88: {  	s22 =	simm.s32 $0x1000;
	s21 =	simm.s32 $0x4200;
	[sflag:s19] =	ssyncadd.s32 $0xFFFFC000  }
.LBB2_4:
0x89: {  	[tilespmem:s17], [sflag:$0x1] =	stream.indirect.gather [hbm4b:s3+s13], $0x80, s21, s13, $0xb8;
	[tilespmem:$0xD980] =	vst v63  }
0x8a: {  	s24 =	smov.u32 s22;
	s21 =	smov.u32 s23  }
0x8b: {  	p0 =	sne.s32 s22, $0x17000;
	s22 =	sadd.s32 $0x1000, s22;
	_ =	swait.ge [sflag:s18], $0x4000  }
0x8c: {  	[sflag:s18] =	ssyncset.done $0x0  }
0x8d: {  	s25 =	sadd.s32 s24, s10;
	[sflag:s18] =	ssyncadd.s32 $0xFFFFC000  }
0x8e: {  	[hbm4b:s25+s2] =	stream.linear.scatter [tilespmem:s15], [sflag:$0x2], $0x4000, $0x38;
	[tilespmem:$0xD980] =	vst v63  }
0x8f: {  	_ =	swait.ge [sflag:s19], $0x4000  }
0x90: {  	[sflag:s19] =	ssyncset.done $0x0  }
0x91: {  	s25 =	sadd.s32 $0xFFFFFF80, s23;
	[sflag:s19] =	ssyncadd.s32 $0xFFFFC000  }
0x92: {  	[tilespmem:s15], [sflag:$0x1] =	stream.indirect.gather [hbm4b:s3+s13], $0x80, s25, s13, $0xb8;
	[tilespmem:$0xD980] =	vst v63  }
0x93: {  	_ =	swait.ge [sflag:s18], $0x4000  }
0x94: {  	[sflag:s18] =	ssyncset.done $0x0  }
.Ltmp1:
0x95: {  	s24 =	sadd.s32 s24, s9;
	[sflag:s18] =	ssyncadd.s32 $0xFFFFC000;
	(pc) =	sbr.rel @p0 .LBB2_4-.Ltmp1, $4  }
0x96: {  	[hbm4b:s24+s2] =	stream.linear.scatter [tilespmem:s17], [sflag:$0x2], $0x4000, $0x38;
	[tilespmem:$0xD980] =	vst v63  }
0x97: {  	_ =	swait.ge [sflag:s19], $0x4000  }
0x98: {  	[sflag:s19] =	ssyncset.done $0x0  }
0x99: {  	s23 =	sadd.s32 $0x100, s23;
	[sflag:s19] =	ssyncadd.s32 $0xFFFFC000  }
0x9a: {  	[tilespmem:s17], [sflag:$0x1] =	stream.indirect.gather [hbm4b:s3+s13], $0x80, s21, s13, $0xb8;
	[tilespmem:$0xD980] =	vst v63  }
0x9b: {  	_ =	swait.ge [sflag:s18], $0x4000  }
0x9c: {  	[sflag:s18] =	ssyncset.done $0x0  }
0x9d: {  	[sflag:s18] =	ssyncadd.s32 $0xFFFFC000  }
0x9e: {  	[hbm4b:s7+s2] =	stream.linear.scatter [tilespmem:s15], [sflag:$0x2], $0x4000, $0x38;
	[tilespmem:$0xD980] =	vst v63  }
0x9f: {  	_ =	swait.ge [sflag:s19], $0x4000  }
0xa0: {  	[sflag:s19] =	ssyncset.done $0x0  }
0xa1: {  	[sflag:s19] =	ssyncadd.s32 $0xFFFFC000  }
0xa2: {  	s20 =	sadd.s32 $0x1, s20;
	_ =	swait.ge [sflag:s18], $0x4000  }
0xa3: {  	p0 =	sne.s32 s20, s6;
	[sflag:s18] =	ssyncset.done $0x0  }
.Ltmp2:
0xa4: {  	[sflag:s18] =	ssyncadd.s32 $0xFFFFC000;
	(pc) =	sbr.rel @p0 .LBB2_1-.Ltmp2, $4  }
0xa5: {  	[hbm4b:s8+s2] =	stream.linear.scatter [tilespmem:s17], [sflag:$0x2], $0x4000, $0x38;
	[tilespmem:$0xD980] =	vst v63  }
0xa6: {  	_ =	swait.ge [sflag:s19], $0x4000  }
0xa7: {  	[sflag:s19] =	ssyncset.done $0x0  }
0xa8: {  	[sflag:s19] =	ssyncadd.s32 $0xFFFFC000  }
0xa9: {  	_ =	sfence.sel $0x180000  }
0xaa: {  	[bflag:$0x0] =	sbarrier.arrive $0xFFFF  }
0xab: {  	p0 =	sne.s32 s1, $0x0;
	_ =	strace $0x90000047  }
0xac: {  	s0 =	sadd.s32 @!p0 $0x100000, s0;
	[bflag:$0x2] =	sbarrier.arrive $0xFFFF  }
0xad: {  	[sflag:s0] =	ssyncadd.tile.s32 @!p0 $0x1;
	_ =	shalt  }
.Lfunc_end2:
_tile_overlayer_lowered:
.L_overlay_start_2:
0xae: {  	(tag) =	ssettag $0x2  }
0xaf: {  	s0 =	rddreg [dreg:$0x0];
	s2 =	stileid.u32  }
0xb0: {  	s1 =	rddreg [dreg:$0x1];
	p0 =	sne.s32 s2, $0x0  }
0xb1: {  	s3 =	rddreg [dreg:$0x2];
	[bflag:$0x3] =	sbarrier.arrive $0xFFFF;
	s2 =	simm.s32 @!p0 $0x1C03  }
0xb2: {  	[timem:s3], [sflag:s2] =	dma.local @!p0 [hbm:s0], s1  }
0xb3: {  	s0 =	simm.s32 @!p0 $0x3  }
0xb4: {  	_ =	swait.ge @!p0 [sflag:s0], s1  }
0xb5: {  	s1 =	ssub.s32 @!p0 $0x0, s1;
	[sflag:s0] =	ssyncset.done @!p0 $0x0  }
0xb6: {  	[sflag:s0] =	ssyncadd.s32 @!p0 s1  }
0xb7: {  	[bflag:$0x3] =	sbarrier.arrive $0xFFFF  }
0xb8: {  	_ =	shalt  }

// kernel: sparse-core-data-format-call.cloned.1.call-start
scs
called_computation_lowered:
.L_overlay_start_0:
0x0: {  	s2 =	sld [smem:$0x3FD9]  }
0x1: {  	s3 =	sld [smem:$0x3FFE];
	_ =	sdelay $0x1  }
0x2: {  	s1 =	srdreg.scid  }
0x3: {  	s0 =	sand.u32 $0x1, s1  }
0x4: {  	s18 =	sshll.u32 s0, $0xA;
	s2 =	sadd.s32 s3, s2  }
0x5: {  	s2 =	sadd.s32 s2, s18  }
0x6: {  	[smem:$0x3FC4] =	sst s2  }
0x7: {  	_ = 	snop  }
0x8: {  	s2 =	sld [smem:$0x3FD0];
	(tm) =	ssettm $0x1  }
0x9: {  	s19 =	sld [smem:$0x3FFB];
	_ =	sdelay $0x3  }
0xa: {  	_ =	strace s19  }
0xb: {  	s3 =	sld [smem:$0x3FFC];
	_ =	sdelay $0x3  }
0xc: {  	_ =	strace s3  }
0xd: {  	s3 =	sld [smem:$0x3FFD];
	_ =	sdelay $0x3  }
0xe: {  	_ =	strace s3  }
0xf: {  	_ =	strace $0x8FFFFFFF  }
0x10: {  	s20 =	sld [smem:$0x3FDB];
	_ =	sdelay $0x1  }
0x11: {  	s4 =	simm.s32 $_scs_section_size  }
0x12: {  	s5 =	simm.s32 $_size__tile_overlayer_lowered;
	s6 =	simm.s32 $_tile_overlayer_lowered  }
0x13: {  	s23 =	simm.s32 $0x1BFF;
	s22 =	sshll.u32 s6, $0x1;
	s3 =	sadd.s32 s4, s20  }
0x14: {  	s7 =	simm.s32 $0x0;
	s21 =	sshll.u32 s5, $0x1;
	s5 =	sadd.s32 s22, s3  }
0x15: {  	[timem:s7], [sflag:s23] =	dma.local [hbm:s5], s21  }
0x16: {  	_ =	swait.ge [sflag:s23], s21  }
0x17: {  	s4 =	ssub.s32 $0x0, s21;
	[sflag:s23] =	ssyncset.done $0x0  }
0x18: {  	[sflag:s23] =	ssyncadd.s32 s4;
	_ =	sdelay $0x1  }
0x19: {  	s24 =	simm.s32 $0x1B8B  }
0x1a: {  	_ =	swait.ge [sflag:s24], $0x1  }
0x1b: {  	[sflag:s24] =	ssyncset.done $0x0  }
0x1c: {  	s26 =	simm.s32 $0x1B8E;
	s25 =	sld [smem:$0x3FFE];
	[sflag:s24] =	ssyncadd.s32 $0xFFFFFFFF  }
0x1d: {  	s27 =	simm.s32 $execute0_lowered;
	[smem:$0x3FD2] =	sst s26  }
0x1e: {  	s5 =	sshll.u32 s27, $0x1;
	_ =	strace $0x80000049;
	[dreg:$0x1] =	wrdreg $0xFFFFFFFF  }
0x1f: {  	s28 =	simm.s32 $_size_execute0_lowered;
	s3 =	sadd.s32 s3, s5;
	[dreg:$0x0] =	wrdreg $0x0  }
0x20: {  	s5 =	sshll.u32 s28, $0x1;
	[dreg:$0x2] =	wrdreg s3  }
0x21: {  	[dreg:$0x3] =	wrdreg s5  }
0x22: {  	[dreg:$0x4] =	wrdreg $0xC0  }
0x23: {  	_ =	task [dreg:s7], $0x5FFFF  }
0x24: {  	[dreg:$0x1] =	wrdreg $0xFFFFFFFF  }
0x25: {  	[dreg:$0x0] =	wrdreg $0x60  }
0x26: {  	[dreg:$0x2] =	wrdreg s25  }
0x27: {  	[dreg:$0x3] =	wrdreg s2  }
0x28: {  	[dreg:$0x4] =	wrdreg $0x9  }
0x29: {  	_ =	task.clear_ibuf [dreg:s7], $0x5FFFF;
	_ =	strace $0x90000049  }
0x2a: {  	s29 =	simm.s32 $0x9;
	_ =	strace $0x8000004B  }
0x2b: {  	_ =	swait.ge [sflag:s29], $0x1  }
0x2c: {  	[sflag:s29] =	ssyncadd.s32 $0xFFFFFFFF  }
0x2d: {  	_ =	strace $0x9000004B  }
0x2e: {  	_ =	sfence  }
0x2f: {  	s30 =	sld [smem:$0x0];
	_ =	sdelay $0x2  }
0x30: {  	s31 =	sshll.u32 s1, $0xD;
	s1 =	sshrl.u32 s1, $0x2  }
0x31: {  	s3 =	sand.u32 $0x4000, s31;
	s1 =	sadd.s32 s1, s30  }
0x32: {  	s0 =	sor.u32 s3, s0;
	s1 =	sshll.u32 s1, $0x11  }
0x33: {  	s0 =	sor.u32 s1, s0  }
0x34: {  	s0 =	sadd.s32 $0x8F2B, s0  }
0x35: {  	[sflag:s0] =	ssyncadd.remote.s32 $0x1  }
0x36: {  	_ =	sfence.sel $0xFFFF  }
0x37: {  	[dreg:$0x0] =	wrdreg $0xFFFFFFFF;
	(pc) =	sbr.abs _section_cstart, $3  }
0x38: {  	[dreg:$0x1] =	wrdreg $0xFFFFFFFF  }
0x39: {  	_ =	task.clear_ibuf [dreg:s7], $0x2FFFF;
	_ =	strace $0x9FFFFFFF  }
0x3a: {  	(tm) =	ssettm $0x7FFFFFFF  }
0x3b: {  	_ =	shalt  }
tec
execute0_lowered:
.L_overlay_start_1:
0x0: {  	(tag) =	ssettag $0x1  }
0x1: {  	s0 =	srdreg.scid  }
0x2: {  	s1 =	sshll.u32 s0, $0x4  }
0x3: {  	s0 =	stileid.u32;
	s1 =	sand.u32 $0x10, s1  }
0x4: {  	s1 =	sor.u32 s0, s1  }
0x5: {  	s6 =	rddreg [dreg:$0x0];
	s4 =	simm.s32 $0x1;
	s2 =	sshll.u32 s1, $0x7  }
0x6: {  	s7 =	simm.s32 $0x2;
	s12 =	simm.s32 $0x0;
	s1 =	ssub.s32 $0x1000, s2  }
0x7: {  	s8 =	simm.s32 $0x8000;
	s13 =	simm.s32 $0x0;
	s3 =	sand.u32 $0xF80, s1  }
0x8: {  	s9 =	simm.s32 $0x0;
	s5 =	sshrl.u32 s1, $0xC;
	p0 =	sne.s32 s3, $0x0  }
.Ltmp0:
0x9: {  	s1 =	rddreg [dreg:$0x2];
	s4 =	simm.s32 @!p0 $0x0;
	(pc) =	sbr.rel .LBB1_1-.Ltmp0, $4  }
0xa: {  	s11 =	simm.s32 $0x0;
	s3 =	rddreg [dreg:$0x1];
	s5 =	sadd.s32 s4, s5  }
0xb: {  	_ =	strace $0x8000004A;
	s4 =	simm.s32 $0x1;
	s5 =	smul.u32 $0x64, s5  }
0xc: {  	s6 =	sadd.s32 $0x1000, s6;
	s10 =	smov.u32 s2;
	[sflag:s4] =	ssyncpa.u1 $0x0  }
0xd: {  	p0 =	por $0x0, $0x0;
	[sflag:s7] =	ssyncpa.u1 $0x0;
	s7 =	sor.u32 $0x1, s5  }
.LBB1_4:
0xe: {  	s16 =	sshll.u32 s13, $0x3;
	s17 =	sand.u32 $0x78, s13  }
0xf: {  	s30 =	sand.u32 $0x7E00, s13;
	s12 =	sshll.u32 s12, $0xF;
	s16 =	sand.u32 $0xC00, s16  }
0x10: {  	[tilespmem:s15+$0x810 ss:$0x81] =	vst.msk $0xffff, v2;
	s31 =	sand.u32 $0x7, s13;
	s16 =	sor.u32 s17, s16;
	s17 =	sadd.s32 s3, s30  }
0x11: {  	[tilespmem:s15+$0x1020 ss:$0x81] =	vst.msk $0xffff, v0;
	s13 =	sshll.u32 s31, $0x12;
	s12 =	sadd.s32 s12, s17;
	s16 =	sshrl.u32 s16, $0x3  }
0x12: {  	[tilespmem:s15+$0x0 ss:$0x81] =	vst.msk $0xffff, v1;
	s13 =	sor.u32 $0x400, s13;
	s12 =	sadd.s32 s16, s12  }
0x13: {  	[hbm4b:s12+s13] =	stream.strided.scatter [tilespmem:s14], [sflag:$0x2], $0x2000, s8, s13, $0x20;
	[tilespmem:$0x8080] =	vst v63  }
.LBB1_5:
0x14: {  	s14 =	sadd.s32 $0x1, s9  }
0x15: {  	s12 =	sadd.s32 $0x1000, s10;
	s16 =	smov.u32 s10;
	p2 =	sgt.s32 s14, $0x63  }
0x16: {  	s16 =	smov.u32 @p2 s12  }
0x17: {  	s14 =	simm.s32 @p2 $0x0;
	p2 =	sgt.s32 s16, $0xFFF  }
0x18: {  	s16 =	smov.u32 @p2 s2;
	p2 =	sne.s32 s11, s7  }
.Ltmp1:
0x19: {  	p1 =	slt.u32 s11, $0x2;
	(pc) =	sbr.rel @!p2 .LBB1_6-.Ltmp1, $4  }
0x1a: {  	s15 =	simm.s32 @!p1 $0x2  }
0x1b: {  	s13 =	smov.u32 s10;
	p0 =	por !p0, !p0;
	_ =	swait.ge @!p1 [sflag:s15], $0x2000  }
0x1c: {  	s12 =	smov.u32 s9;
	[sflag:s15] =	ssyncset.done @!p1 $0x0;
	s9 =	smov.u32 s14  }
0x1d: {  	s11 =	sadd.s32 $0x1, s11;
	[sflag:s15] =	ssyncadd.s32 @!p1 $0xFFFFE000;
	s10 =	smov.u32 s16  }
.LBB1_1:
0x1e: {  	p1 =	sge.u32 s11, s5  }
0x1f: {  	s14 =	sand.u32 @!p1 $0x1FFFFFF, s9  }
0x20: {  	s15 =	smulhi.u32 @!p1 $0x2762763, s14;
	_ =	sdelay $0x1  }
0x21: {  	s15 =	smul.u32 @!p1 $0x68, s15  }
0x22: {  	s16 =	sxor.u32 @!p1 $0xFFFFFFFF, s11;
	s17 =	smul.u32 @!p1 $0x680, s10  }
0x23: {  	s31 =	sadd.s32 $0xFFFFFFFF, s11;
	s16 =	sshll.u32 @!p1 s16, $0xD;
	s14 =	ssub.s32 @!p1 s14, s15  }
0x24: {  	s15 =	sand.u32 @!p1 $0x2000, s16;
	s16 =	sadd.s32 @!p1 s6, s17;
	s14 =	sshll.u32 @!p1 s14, $0x4  }
0x25: {  	s17 =	simm.s32 @!p1 $0x3400;
	s14 =	sadd.s32 @!p1 s14, s16;
	s16 =	simm.s32 @!p1 $0x40  }
0x26: {  	[tilespmem:s15], [sflag:$0x1] =	stream.strided.gather @!p1 [hbm4b:s14+s16], $0x2000, s17, s16, $0x38;
	[tilespmem:$0x8080] =	vst v63  }
0x27: {  	p1 =	sge.u32 s31, s5  }
.Ltmp2:
0x28: {  	_ = 	snop;
	(pc) =	sbr.rel @p1 .LBB1_5-.Ltmp2, $1  }
0x29: {  	_ =	sdelay $0x3  }
0x2a: {  	s14 =	simm.s32 $0x1  }
0x2b: {  	_ =	swait.ge [sflag:s4], $0x2000;
	s14 =	simm.s32 @!p0 $0x0  }
0x2c: {  	[sflag:s4] =	ssyncset.done $0x0;
	s15 =	sshll.u32 s14, $0xD  }
0x2d: {  	[sflag:s4] =	ssyncadd.s32 $0xFFFFE000;
	s18 =	sor.u32 $0x20, s15  }
0x2e: {  	s14 =	smul.u32 $0x8100, s14;
	v3 =	vld [tilespmem:s18+$0x10]  }
0x2f: {  	s30 =	sand.u32 $0x1, s11;
	v2 =	vld [tilespmem:s18+$0xFFFFFFF0]  }
0x30: {  	s15 =	smul.u32 $0x8100, s30;
	s14 =	sshrl.u32 s14, $0x2;
	v0 =	vld [tilespmem:s18+$0x0]  }
0x31: {  	v1 =	vld [tilespmem:s18+$0xFFFFFFE0];
	s16 =	sor.u32 $0x4000, s14  }
0x32: {  	s31 =	sshrl.u32 s15, $0x2;
	s15 =	sadd.s32 $0x0, s16  }
0x33: {  	s17 =	simm.s32 $0x4;
	s18 =	sadd.s32 $0x40, s18;
	s14 =	sor.u32 $0x4000, s31;
	[tilespmem:s15+$0x1830 ss:$0x81] =	vst.msk $0xffff, v3  }
.LBB1_3:
0x34: {  	v3 =	vld [tilespmem:s18+$0x10];
	p1 =	sne.s32 s17, $0x1FC;
	[tilespmem:s15+$0x810 ss:$0x81] =	vst.msk $0xffff, v2;
	s19 =	smov.u32 s17;
	s17 =	sadd.s32 $0x4, s17  }
.Ltmp3:
0x35: {  	v2 =	vld [tilespmem:s18+$0xFFFFFFF0];
	[tilespmem:s15+$0x1020 ss:$0x81] =	vst.msk $0xffff, v0;
	(pc) =	sbr.rel @p1 .LBB1_3-.Ltmp3, $4  }
0x36: {  	v0 =	vld [tilespmem:s18+$0x0];
	[tilespmem:s15+$0x0 ss:$0x81] =	vst.msk $0xffff, v1  }
0x37: {  	s15 =	sshra.s32 s19, $0x2;
	v1 =	vld [tilespmem:s18+$0xFFFFFFE0]  }
0x38: {  	s15 =	sadd.s32 s15, s16  }
0x39: {  	s18 =	sadd.s32 $0x40, s18;
	[tilespmem:s15+$0x1830 ss:$0x81] =	vst.msk $0xffff, v3  }
.Ltmp4:
0x3a: {  	_ = 	snop;
	(pc) =	sbr.rel .LBB1_4-.Ltmp4, $1  }
0x3b: {  	_ =	sdelay $0x3  }
.LBB1_6:
0x3c: {  	_ =	sfence.sel $0x180000  }
0x3d: {  	s2 =	simm.s32 $0x1;
	[bflag:$0x0] =	sbarrier.arrive $0xFFFF  }
0x3e: {  	s31 =	simm.s32 $0x2;
	[sflag:s2] =	ssyncpa.u1 $0x1  }
0x3f: {  	[sflag:s31] =	ssyncpa.u1 $0x1  }
0x40: {  	p0 =	sne.s32 s0, $0x0;
	_ =	strace $0x9000004A  }
0x41: {  	s0 =	sadd.s32 @!p0 $0x100000, s1;
	[bflag:$0x2] =	sbarrier.arrive $0xFFFF  }
0x42: {  	[sflag:s0] =	ssyncadd.tile.s32 @!p0 $0x1;
	_ =	shalt  }
.Lfunc_end1:
_tile_overlayer_lowered:
.L_overlay_start_2:
0x43: {  	(tag) =	ssettag $0x2  }
0x44: {  	s0 =	rddreg [dreg:$0x0];
	s2 =	stileid.u32  }
0x45: {  	s1 =	rddreg [dreg:$0x1];
	p0 =	sne.s32 s2, $0x0  }
0x46: {  	s3 =	rddreg [dreg:$0x2];
	[bflag:$0x3] =	sbarrier.arrive $0xFFFF;
	s2 =	simm.s32 @!p0 $0x1C01  }
0x47: {  	[timem:s3], [sflag:s2] =	dma.local @!p0 [hbm:s0], s1  }
0x48: {  	s0 =	simm.s32 @!p0 $0x1  }
0x49: {  	_ =	swait.ge @!p0 [sflag:s0], s1  }
0x4a: {  	s1 =	ssub.s32 @!p0 $0x0, s1;
	[sflag:s0] =	ssyncset.done @!p0 $0x0  }
0x4b: {  	[sflag:s0] =	ssyncadd.s32 @!p0 s1  }
0x4c: {  	[bflag:$0x3] =	sbarrier.arrive $0xFFFF  }
0x4d: {  	_ =	shalt  }

</sc_bundles>
